<compile_context>
chip_gen: v7x
topology: tpu7x:2x2x1
jax: 0.10.2.dev20260603
libtpu: 0.0.44.dev20260713+nightly
codegen_flags: <defaults>
</compile_context>

<pallas_src>
import functools

import jax
import jax.numpy as jnp
from jax import lax
from jax.experimental import pallas as pl
from jax.experimental.pallas import tpu as pltpu
from jax.experimental.pallas import tpu_sc as plsc

CLS = 1_000_000
BATCH = 16384
FEAT = 32
NC = 2
NS = 16
NW = NC * NS
BPW = BATCH // NW
ROWS = BATCH // 128
CROWS = ROWS // NS
PROWS = ROWS // NW
GROUPS = BPW // 16


def _sc_body(label2d, featT, scentT, t_out,
             idx_c, idx_p, val_v, counts_v, featT_v, scentT_v, t_v,
             hist, sem_f, sem_g, sem_s):
    c = lax.axis_index("c")
    s = lax.axis_index("s")
    wid = s * NC + c
    base = wid * BPW

    pltpu.sync_copy(label2d.at[pl.ds(s * CROWS, CROWS)], idx_c)
    pltpu.sync_copy(label2d.at[pl.ds(wid * PROWS, PROWS)], idx_p)

    fcp = pltpu.async_copy(featT.at[:, pl.ds(base, BPW)], featT_v, sem_f)
    gcp = pltpu.async_copy(scentT.at[:, pl.ds(base, BPW)], scentT_v, sem_g)

    for i in range(128 // 16):
        val_v[pl.ds(i * 16, 16)] = jnp.zeros((16,), jnp.float32)
    zcps = [pltpu.async_copy(val_v, hist.at[idx_c.at[j]], sem_s)
            for j in range(CROWS)]
    for cp in zcps:
        cp.wait()
    plsc.subcore_barrier()

    for i in range(128 // 16):
        val_v[pl.ds(i * 16, 16)] = jnp.ones((16,), jnp.float32)
    acps = [pltpu.async_copy(val_v, hist.at[idx_c.at[j]], sem_s, add=True)
            for j in range(CROWS)]
    for cp in acps:
        cp.wait()
    plsc.subcore_barrier()

    ccps = [pltpu.async_copy(hist.at[idx_p.at[j]], counts_v.at[j], sem_s)
            for j in range(PROWS)]
    fcp.wait()
    gcp.wait()

    def group_body(g, _):
        jrow = g // 8
        lbase = (g % 8) * 16
        acc = jnp.zeros((16,), jnp.float32)
        for f in range(FEAT):
            a = featT_v[f, pl.ds(g * 16, 16)]
            b = scentT_v[f, pl.ds(g * 16, 16)]
            d = a - b
            acc = acc + d * d
        t_v[jrow, pl.ds(lbase, 16)] = acc
        return _

    lax.fori_loop(0, GROUPS, group_body, 0, unroll=False)

    for cp in ccps:
        cp.wait()
    for j in range(PROWS):
        for i in range(128 // 16):
            sl = pl.ds(i * 16, 16)
            t_v[j, sl] = t_v[j, sl] / counts_v[j, sl]

    pltpu.sync_copy(t_v, t_out.at[pl.ds(wid * PROWS, PROWS)])


@jax.jit
def _sc_part(label2d, featT, scentT):
    mesh = plsc.VectorSubcoreMesh(core_axis_name="c", subcore_axis_name="s")
    return pl.kernel(
        _sc_body,
        out_type=jax.ShapeDtypeStruct((ROWS, 128), jnp.float32),
        mesh=mesh,
        scratch_types=[
            pltpu.VMEM((CROWS, 128), jnp.int32),
            pltpu.VMEM((PROWS, 128), jnp.int32),
            pltpu.VMEM((128,), jnp.float32),
            pltpu.VMEM((PROWS, 128), jnp.float32),
            pltpu.VMEM((FEAT, BPW), jnp.float32),
            pltpu.VMEM((FEAT, BPW), jnp.float32),
            pltpu.VMEM((PROWS, 128), jnp.float32),
            pltpu.VMEM_SHARED((CLS,), jnp.float32),
            pltpu.SemaphoreType.DMA,
            pltpu.SemaphoreType.DMA,
            pltpu.SemaphoreType.DMA,
        ],
        compiler_params=pltpu.CompilerParams(needs_layout_passes=False),
    )(label2d, featT, scentT)


def _tc_loss_body(t_ref, out_ref):
    out_ref[0, 0] = jnp.sum(jnp.sqrt(t_ref[...])) / BATCH


@jax.jit
def _tc_loss(t):
    return pl.pallas_call(
        _tc_loss_body,
        out_shape=jax.ShapeDtypeStruct((1, 1), jnp.float32),
        in_specs=[pl.BlockSpec(memory_space=pltpu.VMEM)],
        out_specs=pl.BlockSpec(memory_space=pltpu.SMEM),
    )(t)


def kernel(feat, label, centers):
    label = label.astype(jnp.int32)
    label2d = label.reshape(ROWS, 128)
    scent = centers.at[label].get(mode="promise_in_bounds")
    t = _sc_part(label2d, feat.T, scent.T)
    return _tc_loss(t)[0, 0]

# --- scband reference (transcript-rebuilt; emitter-appended) ---
"""Pipeline reference for scband-center-loss-40398462386757 (READ-ONLY COPY).

The authoritative reference and input builder live on the scoring server;
editing this copy changes nothing except your own understanding.
"""

import jax, jax.numpy as jnp
import numpy as np

CLS_DIM = 1000000
FEAT_DIM = 32
BATCH = 16384

def setup_inputs(seed: int = 0) -> dict:
    key = jax.random.key(seed)
    k1, k2, k3 = jax.random.split(key, 3)
    feat = jax.random.normal(k1, (BATCH, FEAT_DIM), dtype=jnp.float32)
    label = jax.random.randint(k2, (BATCH,), 0, CLS_DIM, dtype=jnp.int64 if jax.config.read('jax_enable_x64') else jnp.int32)
    centers = jax.random.normal(k3, (CLS_DIM, FEAT_DIM), dtype=jnp.float32)
    return {"feat": feat, "label": label, "centers": centers}

def reference(feat, label, centers):
    # scent = centers.index_select(0, label)
    scent = jnp.take(centers, label, axis=0)
    # hist = torch.histc(label.float(), bins=cls_dim, min=0, max=cls_dim)
    # labels are integers in [0, cls_dim) with unit-width bins -> bincount is exact
    hist = jnp.bincount(label, length=CLS_DIM).astype(jnp.float32)
    count = jnp.take(hist, label, axis=0)
    loss = jnp.sqrt(jnp.sum((feat - scent) ** 2, axis=1) / count).sum() / label.shape[0]
    return loss

if __name__ == "__main__":
    import jax
    _d = setup_inputs()
    print(jax.jit(kernel)(*tuple(_d.values())))

</pallas_src>

<mosaic_0001>
#map = affine_map<(d0, d1) -> (0, 0)>
module attributes {stable_mosaic.version = 14 : i64} {
  func.func @_sc_body(%arg0: i32, %arg1: i32, %arg2: memref<128x128xi32, #tpu.memory_space<hbm>>, %arg3: memref<32x16384xf32, #tpu.memory_space<hbm>>, %arg4: memref<32x16384xf32, #tpu.memory_space<hbm>>, %arg5: memref<128x128xf32, #tpu.memory_space<hbm>>, %arg6: memref<8x128xi32, #tpu.memory_space<vmem>>, %arg7: memref<4x128xi32, #tpu.memory_space<vmem>>, %arg8: memref<128xf32, #tpu.memory_space<vmem>>, %arg9: memref<4x128xf32, #tpu.memory_space<vmem>>, %arg10: memref<32x512xf32, #tpu.memory_space<vmem>>, %arg11: memref<32x512xf32, #tpu.memory_space<vmem>>, %arg12: memref<4x128xf32, #tpu.memory_space<vmem>>, %arg13: memref<1000000xf32, #tpu.memory_space<vmem_shared>>, %arg14: memref<!tpu.dma_semaphore, #tpu.memory_space<semaphore_mem>>, %arg15: memref<!tpu.dma_semaphore, #tpu.memory_space<semaphore_mem>>, %arg16: memref<!tpu.dma_semaphore, #tpu.memory_space<semaphore_mem>>) attributes {dimension_semantics = [#tpu.dimension_semantics<core_parallel>, #tpu.dimension_semantics<subcore_parallel>], iteration_bounds = array<i64: 2, 16>, scalar_prefetch = 0 : i64, scratch_operands = 11 : i64, tpu.core_type = #tpu.core_type<sc_vector_subcore>, window_params = [{transform_indices = #map}, {transform_indices = #map}, {transform_indices = #map}, {transform_indices = #map}]} {
    %mul3A = arith.constant 2 : i32
    %mul3A_0 = arith.muli %arg1, %mul3A : i32
    %add3A = arith.addi %mul3A_0, %arg0 : i32
    %mul3A_1 = arith.constant 512 : i32
    %mul3A_2 = arith.muli %add3A, %mul3A_1 : i32
    %mul3A_3 = arith.constant 8 : i32
    %mul3A_4 = arith.muli %arg1, %mul3A_3 : i32
    "tpu.region"() ({
      %run_scoped3A = tpu.sem_alloc : memref<!tpu.dma_semaphore, #tpu.memory_space<semaphore_mem>>
      %dma_start3A_777 = arith.constant 0 : i32
      %dma_start3A_778 = tpu.memref_slice %arg2[%mul3A_4, %dma_start3A_777] : memref<128x128xi32, #tpu.memory_space<hbm>> -> memref<8x128xi32, #tpu.memory_space<hbm>>
      %dma_start3A_779 = arith.constant 0 : i32
      %dma_start3A_780 = tpu.memref_slice %arg2[%mul3A_4, %dma_start3A_779] : memref<128x128xi32, #tpu.memory_space<hbm>> -> memref<8x128xi32, #tpu.memory_space<hbm>>
      tpu.enqueue_dma source(%dma_start3A_780 : memref<8x128xi32, #tpu.memory_space<hbm>>) target(%arg6 : memref<8x128xi32, #tpu.memory_space<vmem>>) target_semaphore(%run_scoped3A : memref<!tpu.dma_semaphore, #tpu.memory_space<semaphore_mem>>)
      %dma_wait3A_781 = arith.constant 0 : i32
      %dma_wait3A_782 = tpu.memref_slice %arg2[%mul3A_4, %dma_wait3A_781] : memref<128x128xi32, #tpu.memory_space<hbm>> -> memref<8x128xi32, #tpu.memory_space<hbm>>
      %dma_wait3A_783 = arith.constant 0 : i32
      %dma_wait3A_784 = tpu.memref_slice %arg2[%mul3A_4, %dma_wait3A_783] : memref<128x128xi32, #tpu.memory_space<hbm>> -> memref<8x128xi32, #tpu.memory_space<hbm>>
      tpu.wait_dma2 semaphore(%run_scoped3A : memref<!tpu.dma_semaphore, #tpu.memory_space<semaphore_mem>>) src(%dma_wait3A_784 : memref<8x128xi32, #tpu.memory_space<hbm>>) dst(%arg6 : memref<8x128xi32, #tpu.memory_space<vmem>>)
      tpu.yield
    }) : () -> ()
    %mul3A_5 = arith.constant 4 : i32
    %mul3A_6 = arith.muli %add3A, %mul3A_5 : i32
    "tpu.region"() ({
      %run_scoped3A = tpu.sem_alloc : memref<!tpu.dma_semaphore, #tpu.memory_space<semaphore_mem>>
      %dma_start3A_777 = arith.constant 0 : i32
      %dma_start3A_778 = tpu.memref_slice %arg2[%mul3A_6, %dma_start3A_777] : memref<128x128xi32, #tpu.memory_space<hbm>> -> memref<4x128xi32, #tpu.memory_space<hbm>>
      %dma_start3A_779 = arith.constant 0 : i32
      %dma_start3A_780 = tpu.memref_slice %arg2[%mul3A_6, %dma_start3A_779] : memref<128x128xi32, #tpu.memory_space<hbm>> -> memref<4x128xi32, #tpu.memory_space<hbm>>
      tpu.enqueue_dma source(%dma_start3A_780 : memref<4x128xi32, #tpu.memory_space<hbm>>) target(%arg7 : memref<4x128xi32, #tpu.memory_space<vmem>>) target_semaphore(%run_scoped3A : memref<!tpu.dma_semaphore, #tpu.memory_space<semaphore_mem>>)
      %dma_wait3A_781 = arith.constant 0 : i32
      %dma_wait3A_782 = tpu.memref_slice %arg2[%mul3A_6, %dma_wait3A_781] : memref<128x128xi32, #tpu.memory_space<hbm>> -> memref<4x128xi32, #tpu.memory_space<hbm>>
      %dma_wait3A_783 = arith.constant 0 : i32
      %dma_wait3A_784 = tpu.memref_slice %arg2[%mul3A_6, %dma_wait3A_783] : memref<128x128xi32, #tpu.memory_space<hbm>> -> memref<4x128xi32, #tpu.memory_space<hbm>>
      tpu.wait_dma2 semaphore(%run_scoped3A : memref<!tpu.dma_semaphore, #tpu.memory_space<semaphore_mem>>) src(%dma_wait3A_784 : memref<4x128xi32, #tpu.memory_space<hbm>>) dst(%arg7 : memref<4x128xi32, #tpu.memory_space<vmem>>)
      tpu.yield
    }) : () -> ()
    %dma_start3A = arith.constant 0 : i32
    %dma_start3A_7 = tpu.memref_slice %arg3[%dma_start3A, %mul3A_2] : memref<32x16384xf32, #tpu.memory_space<hbm>> -> memref<32x512xf32, #tpu.memory_space<hbm>>
    %dma_start3A_8 = arith.constant 0 : i32
    %dma_start3A_9 = tpu.memref_slice %arg3[%dma_start3A_8, %mul3A_2] : memref<32x16384xf32, #tpu.memory_space<hbm>> -> memref<32x512xf32, #tpu.memory_space<hbm>>
    tpu.enqueue_dma source(%dma_start3A_9 : memref<32x512xf32, #tpu.memory_space<hbm>>) target(%arg10 : memref<32x512xf32, #tpu.memory_space<vmem>>) target_semaphore(%arg14 : memref<!tpu.dma_semaphore, #tpu.memory_space<semaphore_mem>>)
    %dma_start3A_10 = arith.constant 0 : i32
    %dma_start3A_11 = tpu.memref_slice %arg4[%dma_start3A_10, %mul3A_2] : memref<32x16384xf32, #tpu.memory_space<hbm>> -> memref<32x512xf32, #tpu.memory_space<hbm>>
    %dma_start3A_12 = arith.constant 0 : i32
    %dma_start3A_13 = tpu.memref_slice %arg4[%dma_start3A_12, %mul3A_2] : memref<32x16384xf32, #tpu.memory_space<hbm>> -> memref<32x512xf32, #tpu.memory_space<hbm>>
    tpu.enqueue_dma source(%dma_start3A_13 : memref<32x512xf32, #tpu.memory_space<hbm>>) target(%arg11 : memref<32x512xf32, #tpu.memory_space<vmem>>) target_semaphore(%arg15 : memref<!tpu.dma_semaphore, #tpu.memory_space<semaphore_mem>>)
    %broadcast_in_dim3A = arith.constant 0.000000e+00 : f32
    %broadcast_in_dim3A_14 = vector.broadcast %broadcast_in_dim3A : f32 to vector<16xf32>
    %swap3A = arith.constant 0 : index
    %swap3A_15 = tpu.vector_load %arg8[%swap3A] {strides = array<i32>} : memref<128xf32, #tpu.memory_space<vmem>>, vector<16xf32>,
    tpu.vector_store %arg8[%swap3A], %broadcast_in_dim3A_14 {strides = array<i32>} : memref<128xf32, #tpu.memory_space<vmem>>, vector<16xf32>,
    %broadcast_in_dim3A_16 = arith.constant 0.000000e+00 : f32
    %broadcast_in_dim3A_17 = vector.broadcast %broadcast_in_dim3A_16 : f32 to vector<16xf32>
    %swap3A_18 = arith.constant 16 : index
    %swap3A_19 = tpu.vector_load %arg8[%swap3A_18] {strides = array<i32>} : memref<128xf32, #tpu.memory_space<vmem>>, vector<16xf32>,
    tpu.vector_store %arg8[%swap3A_18], %broadcast_in_dim3A_17 {strides = array<i32>} : memref<128xf32, #tpu.memory_space<vmem>>, vector<16xf32>,
    %broadcast_in_dim3A_20 = arith.constant 0.000000e+00 : f32
    %broadcast_in_dim3A_21 = vector.broadcast %broadcast_in_dim3A_20 : f32 to vector<16xf32>
    %swap3A_22 = arith.constant 32 : index
    %swap3A_23 = tpu.vector_load %arg8[%swap3A_22] {strides = array<i32>} : memref<128xf32, #tpu.memory_space<vmem>>, vector<16xf32>,
    tpu.vector_store %arg8[%swap3A_22], %broadcast_in_dim3A_21 {strides = array<i32>} : memref<128xf32, #tpu.memory_space<vmem>>, vector<16xf32>,
    %broadcast_in_dim3A_24 = arith.constant 0.000000e+00 : f32
    %broadcast_in_dim3A_25 = vector.broadcast %broadcast_in_dim3A_24 : f32 to vector<16xf32>
    %swap3A_26 = arith.constant 48 : index
    %swap3A_27 = tpu.vector_load %arg8[%swap3A_26] {strides = array<i32>} : memref<128xf32, #tpu.memory_space<vmem>>, vector<16xf32>,
    tpu.vector_store %arg8[%swap3A_26], %broadcast_in_dim3A_25 {strides = array<i32>} : memref<128xf32, #tpu.memory_space<vmem>>, vector<16xf32>,
    %broadcast_in_dim3A_28 = arith.constant 0.000000e+00 : f32
    %broadcast_in_dim3A_29 = vector.broadcast %broadcast_in_dim3A_28 : f32 to vector<16xf32>
    %swap3A_30 = arith.constant 64 : index
    %swap3A_31 = tpu.vector_load %arg8[%swap3A_30] {strides = array<i32>} : memref<128xf32, #tpu.memory_space<vmem>>, vector<16xf32>,
    tpu.vector_store %arg8[%swap3A_30], %broadcast_in_dim3A_29 {strides = array<i32>} : memref<128xf32, #tpu.memory_space<vmem>>, vector<16xf32>,
    %broadcast_in_dim3A_32 = arith.constant 0.000000e+00 : f32
    %broadcast_in_dim3A_33 = vector.broadcast %broadcast_in_dim3A_32 : f32 to vector<16xf32>
    %swap3A_34 = arith.constant 80 : index
    %swap3A_35 = tpu.vector_load %arg8[%swap3A_34] {strides = array<i32>} : memref<128xf32, #tpu.memory_space<vmem>>, vector<16xf32>,
    tpu.vector_store %arg8[%swap3A_34], %broadcast_in_dim3A_33 {strides = array<i32>} : memref<128xf32, #tpu.memory_space<vmem>>, vector<16xf32>,
    %broadcast_in_dim3A_36 = arith.constant 0.000000e+00 : f32
    %broadcast_in_dim3A_37 = vector.broadcast %broadcast_in_dim3A_36 : f32 to vector<16xf32>
    %swap3A_38 = arith.constant 96 : index
    %swap3A_39 = tpu.vector_load %arg8[%swap3A_38] {strides = array<i32>} : memref<128xf32, #tpu.memory_space<vmem>>, vector<16xf32>,
    tpu.vector_store %arg8[%swap3A_38], %broadcast_in_dim3A_37 {strides = array<i32>} : memref<128xf32, #tpu.memory_space<vmem>>, vector<16xf32>,
    %broadcast_in_dim3A_40 = arith.constant 0.000000e+00 : f32
    %broadcast_in_dim3A_41 = vector.broadcast %broadcast_in_dim3A_40 : f32 to vector<16xf32>
    %swap3A_42 = arith.constant 112 : index
    %swap3A_43 = tpu.vector_load %arg8[%swap3A_42] {strides = array<i32>} : memref<128xf32, #tpu.memory_space<vmem>>, vector<16xf32>,
    tpu.vector_store %arg8[%swap3A_42], %broadcast_in_dim3A_41 {strides = array<i32>} : memref<128xf32, #tpu.memory_space<vmem>>, vector<16xf32>,
    %dma_start3A_44 = arith.constant 0 : i32
    %dma_start3A_45 = arith.constant 0 : i32
    %dma_start3A_46 = tpu.memref_slice %arg6[%dma_start3A_44, %dma_start3A_45] : memref<8x128xi32, #tpu.memory_space<vmem>> -> memref<1x128xi32, #tpu.memory_space<vmem>>
    %dma_start3A_47 = tpu.memref_squeeze %dma_start3A_46 : memref<1x128xi32, #tpu.memory_space<vmem>> -> memref<128xi32, #tpu.memory_space<vmem>>
    %dma_start3A_48 = arith.constant 0 : i32
    %dma_start3A_49 = tpu.memref_slice %arg13[%dma_start3A_48] : memref<1000000xf32, #tpu.memory_space<vmem_shared>> -> memref<1000000xf32, #tpu.memory_space<vmem_shared>>
    tpu.enqueue_indirect_dma source(%arg8 : memref<128xf32, #tpu.memory_space<vmem>>) target(%dma_start3A_49 : memref<1000000xf32, #tpu.memory_space<vmem_shared>>) offsets(%dma_start3A_47 : memref<128xi32, #tpu.memory_space<vmem>>) semaphore(%arg16 : memref<!tpu.dma_semaphore, #tpu.memory_space<semaphore_mem>>)
    %dma_start3A_50 = arith.constant 1 : i32
    %dma_start3A_51 = arith.constant 0 : i32
    %dma_start3A_52 = tpu.memref_slice %arg6[%dma_start3A_50, %dma_start3A_51] : memref<8x128xi32, #tpu.memory_space<vmem>> -> memref<1x128xi32, #tpu.memory_space<vmem>>
    %dma_start3A_53 = tpu.memref_squeeze %dma_start3A_52 : memref<1x128xi32, #tpu.memory_space<vmem>> -> memref<128xi32, #tpu.memory_space<vmem>>
    %dma_start3A_54 = arith.constant 0 : i32
    %dma_start3A_55 = tpu.memref_slice %arg13[%dma_start3A_54] : memref<1000000xf32, #tpu.memory_space<vmem_shared>> -> memref<1000000xf32, #tpu.memory_space<vmem_shared>>
    tpu.enqueue_indirect_dma source(%arg8 : memref<128xf32, #tpu.memory_space<vmem>>) target(%dma_start3A_55 : memref<1000000xf32, #tpu.memory_space<vmem_shared>>) offsets(%dma_start3A_53 : memref<128xi32, #tpu.memory_space<vmem>>) semaphore(%arg16 : memref<!tpu.dma_semaphore, #tpu.memory_space<semaphore_mem>>)
    %dma_start3A_56 = arith.constant 2 : i32
    %dma_start3A_57 = arith.constant 0 : i32
    %dma_start3A_58 = tpu.memref_slice %arg6[%dma_start3A_56, %dma_start3A_57] : memref<8x128xi32, #tpu.memory_space<vmem>> -> memref<1x128xi32, #tpu.memory_space<vmem>>
    %dma_start3A_59 = tpu.memref_squeeze %dma_start3A_58 : memref<1x128xi32, #tpu.memory_space<vmem>> -> memref<128xi32, #tpu.memory_space<vmem>>
    %dma_start3A_60 = arith.constant 0 : i32
    %dma_start3A_61 = tpu.memref_slice %arg13[%dma_start3A_60] : memref<1000000xf32, #tpu.memory_space<vmem_shared>> -> memref<1000000xf32, #tpu.memory_space<vmem_shared>>
    tpu.enqueue_indirect_dma source(%arg8 : memref<128xf32, #tpu.memory_space<vmem>>) target(%dma_start3A_61 : memref<1000000xf32, #tpu.memory_space<vmem_shared>>) offsets(%dma_start3A_59 : memref<128xi32, #tpu.memory_space<vmem>>) semaphore(%arg16 : memref<!tpu.dma_semaphore, #tpu.memory_space<semaphore_mem>>)
    %dma_start3A_62 = arith.constant 3 : i32
    %dma_start3A_63 = arith.constant 0 : i32
    %dma_start3A_64 = tpu.memref_slice %arg6[%dma_start3A_62, %dma_start3A_63] : memref<8x128xi32, #tpu.memory_space<vmem>> -> memref<1x128xi32, #tpu.memory_space<vmem>>
    %dma_start3A_65 = tpu.memref_squeeze %dma_start3A_64 : memref<1x128xi32, #tpu.memory_space<vmem>> -> memref<128xi32, #tpu.memory_space<vmem>>
    %dma_start3A_66 = arith.constant 0 : i32
    %dma_start3A_67 = tpu.memref_slice %arg13[%dma_start3A_66] : memref<1000000xf32, #tpu.memory_space<vmem_shared>> -> memref<1000000xf32, #tpu.memory_space<vmem_shared>>
    tpu.enqueue_indirect_dma source(%arg8 : memref<128xf32, #tpu.memory_space<vmem>>) target(%dma_start3A_67 : memref<1000000xf32, #tpu.memory_space<vmem_shared>>) offsets(%dma_start3A_65 : memref<128xi32, #tpu.memory_space<vmem>>) semaphore(%arg16 : memref<!tpu.dma_semaphore, #tpu.memory_space<semaphore_mem>>)
    %dma_start3A_68 = arith.constant 4 : i32
    %dma_start3A_69 = arith.constant 0 : i32
    %dma_start3A_70 = tpu.memref_slice %arg6[%dma_start3A_68, %dma_start3A_69] : memref<8x128xi32, #tpu.memory_space<vmem>> -> memref<1x128xi32, #tpu.memory_space<vmem>>
    %dma_start3A_71 = tpu.memref_squeeze %dma_start3A_70 : memref<1x128xi32, #tpu.memory_space<vmem>> -> memref<128xi32, #tpu.memory_space<vmem>>
    %dma_start3A_72 = arith.constant 0 : i32
    %dma_start3A_73 = tpu.memref_slice %arg13[%dma_start3A_72] : memref<1000000xf32, #tpu.memory_space<vmem_shared>> -> memref<1000000xf32, #tpu.memory_space<vmem_shared>>
    tpu.enqueue_indirect_dma source(%arg8 : memref<128xf32, #tpu.memory_space<vmem>>) target(%dma_start3A_73 : memref<1000000xf32, #tpu.memory_space<vmem_shared>>) offsets(%dma_start3A_71 : memref<128xi32, #tpu.memory_space<vmem>>) semaphore(%arg16 : memref<!tpu.dma_semaphore, #tpu.memory_space<semaphore_mem>>)
    %dma_start3A_74 = arith.constant 5 : i32
    %dma_start3A_75 = arith.constant 0 : i32
    %dma_start3A_76 = tpu.memref_slice %arg6[%dma_start3A_74, %dma_start3A_75] : memref<8x128xi32, #tpu.memory_space<vmem>> -> memref<1x128xi32, #tpu.memory_space<vmem>>
    %dma_start3A_77 = tpu.memref_squeeze %dma_start3A_76 : memref<1x128xi32, #tpu.memory_space<vmem>> -> memref<128xi32, #tpu.memory_space<vmem>>
    %dma_start3A_78 = arith.constant 0 : i32
    %dma_start3A_79 = tpu.memref_slice %arg13[%dma_start3A_78] : memref<1000000xf32, #tpu.memory_space<vmem_shared>> -> memref<1000000xf32, #tpu.memory_space<vmem_shared>>
    tpu.enqueue_indirect_dma source(%arg8 : memref<128xf32, #tpu.memory_space<vmem>>) target(%dma_start3A_79 : memref<1000000xf32, #tpu.memory_space<vmem_shared>>) offsets(%dma_start3A_77 : memref<128xi32, #tpu.memory_space<vmem>>) semaphore(%arg16 : memref<!tpu.dma_semaphore, #tpu.memory_space<semaphore_mem>>)
    %dma_start3A_80 = arith.constant 6 : i32
    %dma_start3A_81 = arith.constant 0 : i32
    %dma_start3A_82 = tpu.memref_slice %arg6[%dma_start3A_80, %dma_start3A_81] : memref<8x128xi32, #tpu.memory_space<vmem>> -> memref<1x128xi32, #tpu.memory_space<vmem>>
    %dma_start3A_83 = tpu.memref_squeeze %dma_start3A_82 : memref<1x128xi32, #tpu.memory_space<vmem>> -> memref<128xi32, #tpu.memory_space<vmem>>
    %dma_start3A_84 = arith.constant 0 : i32
    %dma_start3A_85 = tpu.memref_slice %arg13[%dma_start3A_84] : memref<1000000xf32, #tpu.memory_space<vmem_shared>> -> memref<1000000xf32, #tpu.memory_space<vmem_shared>>
    tpu.enqueue_indirect_dma source(%arg8 : memref<128xf32, #tpu.memory_space<vmem>>) target(%dma_start3A_85 : memref<1000000xf32, #tpu.memory_space<vmem_shared>>) offsets(%dma_start3A_83 : memref<128xi32, #tpu.memory_space<vmem>>) semaphore(%arg16 : memref<!tpu.dma_semaphore, #tpu.memory_space<semaphore_mem>>)
    %dma_start3A_86 = arith.constant 7 : i32
    %dma_start3A_87 = arith.constant 0 : i32
    %dma_start3A_88 = tpu.memref_slice %arg6[%dma_start3A_86, %dma_start3A_87] : memref<8x128xi32, #tpu.memory_space<vmem>> -> memref<1x128xi32, #tpu.memory_space<vmem>>
    %dma_start3A_89 = tpu.memref_squeeze %dma_start3A_88 : memref<1x128xi32, #tpu.memory_space<vmem>> -> memref<128xi32, #tpu.memory_space<vmem>>
    %dma_start3A_90 = arith.constant 0 : i32
    %dma_start3A_91 = tpu.memref_slice %arg13[%dma_start3A_90] : memref<1000000xf32, #tpu.memory_space<vmem_shared>> -> memref<1000000xf32, #tpu.memory_space<vmem_shared>>
    tpu.enqueue_indirect_dma source(%arg8 : memref<128xf32, #tpu.memory_space<vmem>>) target(%dma_start3A_91 : memref<1000000xf32, #tpu.memory_space<vmem_shared>>) offsets(%dma_start3A_89 : memref<128xi32, #tpu.memory_space<vmem>>) semaphore(%arg16 : memref<!tpu.dma_semaphore, #tpu.memory_space<semaphore_mem>>)
    %dma_wait3A = arith.constant 0 : i32
    %dma_wait3A_92 = arith.constant 0 : i32
    %dma_wait3A_93 = tpu.memref_slice %arg6[%dma_wait3A, %dma_wait3A_92] : memref<8x128xi32, #tpu.memory_space<vmem>> -> memref<1x128xi32, #tpu.memory_space<vmem>>
    %dma_wait3A_94 = tpu.memref_squeeze %dma_wait3A_93 : memref<1x128xi32, #tpu.memory_space<vmem>> -> memref<128xi32, #tpu.memory_space<vmem>>
    %dma_wait3A_95 = arith.constant 0 : i32
    %dma_wait3A_96 = tpu.memref_slice %arg13[%dma_wait3A_95] : memref<1000000xf32, #tpu.memory_space<vmem_shared>> -> memref<1000000xf32, #tpu.memory_space<vmem_shared>>
    tpu.wait_indirect_dma semaphore(%arg16 : memref<!tpu.dma_semaphore, #tpu.memory_space<semaphore_mem>>) src(%arg8 : memref<128xf32, #tpu.memory_space<vmem>>) dst(%dma_wait3A_96 : memref<1000000xf32, #tpu.memory_space<vmem_shared>>)
    %dma_wait3A_97 = arith.constant 1 : i32
    %dma_wait3A_98 = arith.constant 0 : i32
    %dma_wait3A_99 = tpu.memref_slice %arg6[%dma_wait3A_97, %dma_wait3A_98] : memref<8x128xi32, #tpu.memory_space<vmem>> -> memref<1x128xi32, #tpu.memory_space<vmem>>
    %dma_wait3A_100 = tpu.memref_squeeze %dma_wait3A_99 : memref<1x128xi32, #tpu.memory_space<vmem>> -> memref<128xi32, #tpu.memory_space<vmem>>
    %dma_wait3A_101 = arith.constant 0 : i32
    %dma_wait3A_102 = tpu.memref_slice %arg13[%dma_wait3A_101] : memref<1000000xf32, #tpu.memory_space<vmem_shared>> -> memref<1000000xf32, #tpu.memory_space<vmem_shared>>
    tpu.wait_indirect_dma semaphore(%arg16 : memref<!tpu.dma_semaphore, #tpu.memory_space<semaphore_mem>>) src(%arg8 : memref<128xf32, #tpu.memory_space<vmem>>) dst(%dma_wait3A_102 : memref<1000000xf32, #tpu.memory_space<vmem_shared>>)
    %dma_wait3A_103 = arith.constant 2 : i32
    %dma_wait3A_104 = arith.constant 0 : i32
    %dma_wait3A_105 = tpu.memref_slice %arg6[%dma_wait3A_103, %dma_wait3A_104] : memref<8x128xi32, #tpu.memory_space<vmem>> -> memref<1x128xi32, #tpu.memory_space<vmem>>
    %dma_wait3A_106 = tpu.memref_squeeze %dma_wait3A_105 : memref<1x128xi32, #tpu.memory_space<vmem>> -> memref<128xi32, #tpu.memory_space<vmem>>
    %dma_wait3A_107 = arith.constant 0 : i32
    %dma_wait3A_108 = tpu.memref_slice %arg13[%dma_wait3A_107] : memref<1000000xf32, #tpu.memory_space<vmem_shared>> -> memref<1000000xf32, #tpu.memory_space<vmem_shared>>
    tpu.wait_indirect_dma semaphore(%arg16 : memref<!tpu.dma_semaphore, #tpu.memory_space<semaphore_mem>>) src(%arg8 : memref<128xf32, #tpu.memory_space<vmem>>) dst(%dma_wait3A_108 : memref<1000000xf32, #tpu.memory_space<vmem_shared>>)
    %dma_wait3A_109 = arith.constant 3 : i32
    %dma_wait3A_110 = arith.constant 0 : i32
    %dma_wait3A_111 = tpu.memref_slice %arg6[%dma_wait3A_109, %dma_wait3A_110] : memref<8x128xi32, #tpu.memory_space<vmem>> -> memref<1x128xi32, #tpu.memory_space<vmem>>
    %dma_wait3A_112 = tpu.memref_squeeze %dma_wait3A_111 : memref<1x128xi32, #tpu.memory_space<vmem>> -> memref<128xi32, #tpu.memory_space<vmem>>
    %dma_wait3A_113 = arith.constant 0 : i32
    %dma_wait3A_114 = tpu.memref_slice %arg13[%dma_wait3A_113] : memref<1000000xf32, #tpu.memory_space<vmem_shared>> -> memref<1000000xf32, #tpu.memory_space<vmem_shared>>
    tpu.wait_indirect_dma semaphore(%arg16 : memref<!tpu.dma_semaphore, #tpu.memory_space<semaphore_mem>>) src(%arg8 : memref<128xf32, #tpu.memory_space<vmem>>) dst(%dma_wait3A_114 : memref<1000000xf32, #tpu.memory_space<vmem_shared>>)
    %dma_wait3A_115 = arith.constant 4 : i32
    %dma_wait3A_116 = arith.constant 0 : i32
    %dma_wait3A_117 = tpu.memref_slice %arg6[%dma_wait3A_115, %dma_wait3A_116] : memref<8x128xi32, #tpu.memory_space<vmem>> -> memref<1x128xi32, #tpu.memory_space<vmem>>
    %dma_wait3A_118 = tpu.memref_squeeze %dma_wait3A_117 : memref<1x128xi32, #tpu.memory_space<vmem>> -> memref<128xi32, #tpu.memory_space<vmem>>
    %dma_wait3A_119 = arith.constant 0 : i32
    %dma_wait3A_120 = tpu.memref_slice %arg13[%dma_wait3A_119] : memref<1000000xf32, #tpu.memory_space<vmem_shared>> -> memref<1000000xf32, #tpu.memory_space<vmem_shared>>
    tpu.wait_indirect_dma semaphore(%arg16 : memref<!tpu.dma_semaphore, #tpu.memory_space<semaphore_mem>>) src(%arg8 : memref<128xf32, #tpu.memory_space<vmem>>) dst(%dma_wait3A_120 : memref<1000000xf32, #tpu.memory_space<vmem_shared>>)
    %dma_wait3A_121 = arith.constant 5 : i32
    %dma_wait3A_122 = arith.constant 0 : i32
    %dma_wait3A_123 = tpu.memref_slice %arg6[%dma_wait3A_121, %dma_wait3A_122] : memref<8x128xi32, #tpu.memory_space<vmem>> -> memref<1x128xi32, #tpu.memory_space<vmem>>
    %dma_wait3A_124 = tpu.memref_squeeze %dma_wait3A_123 : memref<1x128xi32, #tpu.memory_space<vmem>> -> memref<128xi32, #tpu.memory_space<vmem>>
    %dma_wait3A_125 = arith.constant 0 : i32
    %dma_wait3A_126 = tpu.memref_slice %arg13[%dma_wait3A_125] : memref<1000000xf32, #tpu.memory_space<vmem_shared>> -> memref<1000000xf32, #tpu.memory_space<vmem_shared>>
    tpu.wait_indirect_dma semaphore(%arg16 : memref<!tpu.dma_semaphore, #tpu.memory_space<semaphore_mem>>) src(%arg8 : memref<128xf32, #tpu.memory_space<vmem>>) dst(%dma_wait3A_126 : memref<1000000xf32, #tpu.memory_space<vmem_shared>>)
    %dma_wait3A_127 = arith.constant 6 : i32
    %dma_wait3A_128 = arith.constant 0 : i32
    %dma_wait3A_129 = tpu.memref_slice %arg6[%dma_wait3A_127, %dma_wait3A_128] : memref<8x128xi32, #tpu.memory_space<vmem>> -> memref<1x128xi32, #tpu.memory_space<vmem>>
    %dma_wait3A_130 = tpu.memref_squeeze %dma_wait3A_129 : memref<1x128xi32, #tpu.memory_space<vmem>> -> memref<128xi32, #tpu.memory_space<vmem>>
    %dma_wait3A_131 = arith.constant 0 : i32
    %dma_wait3A_132 = tpu.memref_slice %arg13[%dma_wait3A_131] : memref<1000000xf32, #tpu.memory_space<vmem_shared>> -> memref<1000000xf32, #tpu.memory_space<vmem_shared>>
    tpu.wait_indirect_dma semaphore(%arg16 : memref<!tpu.dma_semaphore, #tpu.memory_space<semaphore_mem>>) src(%arg8 : memref<128xf32, #tpu.memory_space<vmem>>) dst(%dma_wait3A_132 : memref<1000000xf32, #tpu.memory_space<vmem_shared>>)
    %dma_wait3A_133 = arith.constant 7 : i32
    %dma_wait3A_134 = arith.constant 0 : i32
    %dma_wait3A_135 = tpu.memref_slice %arg6[%dma_wait3A_133, %dma_wait3A_134] : memref<8x128xi32, #tpu.memory_space<vmem>> -> memref<1x128xi32, #tpu.memory_space<vmem>>
    %dma_wait3A_136 = tpu.memref_squeeze %dma_wait3A_135 : memref<1x128xi32, #tpu.memory_space<vmem>> -> memref<128xi32, #tpu.memory_space<vmem>>
    %dma_wait3A_137 = arith.constant 0 : i32
    %dma_wait3A_138 = tpu.memref_slice %arg13[%dma_wait3A_137] : memref<1000000xf32, #tpu.memory_space<vmem_shared>> -> memref<1000000xf32, #tpu.memory_space<vmem_shared>>
    tpu.wait_indirect_dma semaphore(%arg16 : memref<!tpu.dma_semaphore, #tpu.memory_space<semaphore_mem>>) src(%arg8 : memref<128xf32, #tpu.memory_space<vmem>>) dst(%dma_wait3A_138 : memref<1000000xf32, #tpu.memory_space<vmem_shared>>)
    %barrier3A = arith.constant 0 : index
    tpu.barrier barrier_id(%barrier3A)
    %broadcast_in_dim3A_139 = arith.constant 1.000000e+00 : f32
    %broadcast_in_dim3A_140 = vector.broadcast %broadcast_in_dim3A_139 : f32 to vector<16xf32>
    %swap3A_141 = arith.constant 0 : index
    %swap3A_142 = tpu.vector_load %arg8[%swap3A_141] {strides = array<i32>} : memref<128xf32, #tpu.memory_space<vmem>>, vector<16xf32>,
    tpu.vector_store %arg8[%swap3A_141], %broadcast_in_dim3A_140 {strides = array<i32>} : memref<128xf32, #tpu.memory_space<vmem>>, vector<16xf32>,
    %broadcast_in_dim3A_143 = arith.constant 1.000000e+00 : f32
    %broadcast_in_dim3A_144 = vector.broadcast %broadcast_in_dim3A_143 : f32 to vector<16xf32>
    %swap3A_145 = arith.constant 16 : index
    %swap3A_146 = tpu.vector_load %arg8[%swap3A_145] {strides = array<i32>} : memref<128xf32, #tpu.memory_space<vmem>>, vector<16xf32>,
    tpu.vector_store %arg8[%swap3A_145], %broadcast_in_dim3A_144 {strides = array<i32>} : memref<128xf32, #tpu.memory_space<vmem>>, vector<16xf32>,
    %broadcast_in_dim3A_147 = arith.constant 1.000000e+00 : f32
    %broadcast_in_dim3A_148 = vector.broadcast %broadcast_in_dim3A_147 : f32 to vector<16xf32>
    %swap3A_149 = arith.constant 32 : index
    %swap3A_150 = tpu.vector_load %arg8[%swap3A_149] {strides = array<i32>} : memref<128xf32, #tpu.memory_space<vmem>>, vector<16xf32>,
    tpu.vector_store %arg8[%swap3A_149], %broadcast_in_dim3A_148 {strides = array<i32>} : memref<128xf32, #tpu.memory_space<vmem>>, vector<16xf32>,
    %broadcast_in_dim3A_151 = arith.constant 1.000000e+00 : f32
    %broadcast_in_dim3A_152 = vector.broadcast %broadcast_in_dim3A_151 : f32 to vector<16xf32>
    %swap3A_153 = arith.constant 48 : index
    %swap3A_154 = tpu.vector_load %arg8[%swap3A_153] {strides = array<i32>} : memref<128xf32, #tpu.memory_space<vmem>>, vector<16xf32>,
    tpu.vector_store %arg8[%swap3A_153], %broadcast_in_dim3A_152 {strides = array<i32>} : memref<128xf32, #tpu.memory_space<vmem>>, vector<16xf32>,
    %broadcast_in_dim3A_155 = arith.constant 1.000000e+00 : f32
    %broadcast_in_dim3A_156 = vector.broadcast %broadcast_in_dim3A_155 : f32 to vector<16xf32>
    %swap3A_157 = arith.constant 64 : index
    %swap3A_158 = tpu.vector_load %arg8[%swap3A_157] {strides = array<i32>} : memref<128xf32, #tpu.memory_space<vmem>>, vector<16xf32>,
    tpu.vector_store %arg8[%swap3A_157], %broadcast_in_dim3A_156 {strides = array<i32>} : memref<128xf32, #tpu.memory_space<vmem>>, vector<16xf32>,
    %broadcast_in_dim3A_159 = arith.constant 1.000000e+00 : f32
    %broadcast_in_dim3A_160 = vector.broadcast %broadcast_in_dim3A_159 : f32 to vector<16xf32>
    %swap3A_161 = arith.constant 80 : index
    %swap3A_162 = tpu.vector_load %arg8[%swap3A_161] {strides = array<i32>} : memref<128xf32, #tpu.memory_space<vmem>>, vector<16xf32>,
    tpu.vector_store %arg8[%swap3A_161], %broadcast_in_dim3A_160 {strides = array<i32>} : memref<128xf32, #tpu.memory_space<vmem>>, vector<16xf32>,
    %broadcast_in_dim3A_163 = arith.constant 1.000000e+00 : f32
    %broadcast_in_dim3A_164 = vector.broadcast %broadcast_in_dim3A_163 : f32 to vector<16xf32>
    %swap3A_165 = arith.constant 96 : index
    %swap3A_166 = tpu.vector_load %arg8[%swap3A_165] {strides = array<i32>} : memref<128xf32, #tpu.memory_space<vmem>>, vector<16xf32>,
    tpu.vector_store %arg8[%swap3A_165], %broadcast_in_dim3A_164 {strides = array<i32>} : memref<128xf32, #tpu.memory_space<vmem>>, vector<16xf32>,
    %broadcast_in_dim3A_167 = arith.constant 1.000000e+00 : f32
    %broadcast_in_dim3A_168 = vector.broadcast %broadcast_in_dim3A_167 : f32 to vector<16xf32>
    %swap3A_169 = arith.constant 112 : index
    %swap3A_170 = tpu.vector_load %arg8[%swap3A_169] {strides = array<i32>} : memref<128xf32, #tpu.memory_space<vmem>>, vector<16xf32>,
    tpu.vector_store %arg8[%swap3A_169], %broadcast_in_dim3A_168 {strides = array<i32>} : memref<128xf32, #tpu.memory_space<vmem>>, vector<16xf32>,
    %dma_start3A_171 = arith.constant 0 : i32
    %dma_start3A_172 = arith.constant 0 : i32
    %dma_start3A_173 = tpu.memref_slice %arg6[%dma_start3A_171, %dma_start3A_172] : memref<8x128xi32, #tpu.memory_space<vmem>> -> memref<1x128xi32, #tpu.memory_space<vmem>>
    %dma_start3A_174 = tpu.memref_squeeze %dma_start3A_173 : memref<1x128xi32, #tpu.memory_space<vmem>> -> memref<128xi32, #tpu.memory_space<vmem>>
    %dma_start3A_175 = arith.constant 0 : i32
    %dma_start3A_176 = tpu.memref_slice %arg13[%dma_start3A_175] : memref<1000000xf32, #tpu.memory_space<vmem_shared>> -> memref<1000000xf32, #tpu.memory_space<vmem_shared>>
    tpu.enqueue_indirect_dma source(%arg8 : memref<128xf32, #tpu.memory_space<vmem>>) target(%dma_start3A_176 : memref<1000000xf32, #tpu.memory_space<vmem_shared>>) offsets(%dma_start3A_174 : memref<128xi32, #tpu.memory_space<vmem>>) semaphore(%arg16 : memref<!tpu.dma_semaphore, #tpu.memory_space<semaphore_mem>>) {add = true}
    %dma_start3A_177 = arith.constant 1 : i32
    %dma_start3A_178 = arith.constant 0 : i32
    %dma_start3A_179 = tpu.memref_slice %arg6[%dma_start3A_177, %dma_start3A_178] : memref<8x128xi32, #tpu.memory_space<vmem>> -> memref<1x128xi32, #tpu.memory_space<vmem>>
    %dma_start3A_180 = tpu.memref_squeeze %dma_start3A_179 : memref<1x128xi32, #tpu.memory_space<vmem>> -> memref<128xi32, #tpu.memory_space<vmem>>
    %dma_start3A_181 = arith.constant 0 : i32
    %dma_start3A_182 = tpu.memref_slice %arg13[%dma_start3A_181] : memref<1000000xf32, #tpu.memory_space<vmem_shared>> -> memref<1000000xf32, #tpu.memory_space<vmem_shared>>
    tpu.enqueue_indirect_dma source(%arg8 : memref<128xf32, #tpu.memory_space<vmem>>) target(%dma_start3A_182 : memref<1000000xf32, #tpu.memory_space<vmem_shared>>) offsets(%dma_start3A_180 : memref<128xi32, #tpu.memory_space<vmem>>) semaphore(%arg16 : memref<!tpu.dma_semaphore, #tpu.memory_space<semaphore_mem>>) {add = true}
    %dma_start3A_183 = arith.constant 2 : i32
    %dma_start3A_184 = arith.constant 0 : i32
    %dma_start3A_185 = tpu.memref_slice %arg6[%dma_start3A_183, %dma_start3A_184] : memref<8x128xi32, #tpu.memory_space<vmem>> -> memref<1x128xi32, #tpu.memory_space<vmem>>
    %dma_start3A_186 = tpu.memref_squeeze %dma_start3A_185 : memref<1x128xi32, #tpu.memory_space<vmem>> -> memref<128xi32, #tpu.memory_space<vmem>>
    %dma_start3A_187 = arith.constant 0 : i32
    %dma_start3A_188 = tpu.memref_slice %arg13[%dma_start3A_187] : memref<1000000xf32, #tpu.memory_space<vmem_shared>> -> memref<1000000xf32, #tpu.memory_space<vmem_shared>>
    tpu.enqueue_indirect_dma source(%arg8 : memref<128xf32, #tpu.memory_space<vmem>>) target(%dma_start3A_188 : memref<1000000xf32, #tpu.memory_space<vmem_shared>>) offsets(%dma_start3A_186 : memref<128xi32, #tpu.memory_space<vmem>>) semaphore(%arg16 : memref<!tpu.dma_semaphore, #tpu.memory_space<semaphore_mem>>) {add = true}
    %dma_start3A_189 = arith.constant 3 : i32
    %dma_start3A_190 = arith.constant 0 : i32
    %dma_start3A_191 = tpu.memref_slice %arg6[%dma_start3A_189, %dma_start3A_190] : memref<8x128xi32, #tpu.memory_space<vmem>> -> memref<1x128xi32, #tpu.memory_space<vmem>>
    %dma_start3A_192 = tpu.memref_squeeze %dma_start3A_191 : memref<1x128xi32, #tpu.memory_space<vmem>> -> memref<128xi32, #tpu.memory_space<vmem>>
    %dma_start3A_193 = arith.constant 0 : i32
    %dma_start3A_194 = tpu.memref_slice %arg13[%dma_start3A_193] : memref<1000000xf32, #tpu.memory_space<vmem_shared>> -> memref<1000000xf32, #tpu.memory_space<vmem_shared>>
    tpu.enqueue_indirect_dma source(%arg8 : memref<128xf32, #tpu.memory_space<vmem>>) target(%dma_start3A_194 : memref<1000000xf32, #tpu.memory_space<vmem_shared>>) offsets(%dma_start3A_192 : memref<128xi32, #tpu.memory_space<vmem>>) semaphore(%arg16 : memref<!tpu.dma_semaphore, #tpu.memory_space<semaphore_mem>>) {add = true}
    %dma_start3A_195 = arith.constant 4 : i32
    %dma_start3A_196 = arith.constant 0 : i32
    %dma_start3A_197 = tpu.memref_slice %arg6[%dma_start3A_195, %dma_start3A_196] : memref<8x128xi32, #tpu.memory_space<vmem>> -> memref<1x128xi32, #tpu.memory_space<vmem>>
    %dma_start3A_198 = tpu.memref_squeeze %dma_start3A_197 : memref<1x128xi32, #tpu.memory_space<vmem>> -> memref<128xi32, #tpu.memory_space<vmem>>
    %dma_start3A_199 = arith.constant 0 : i32
    %dma_start3A_200 = tpu.memref_slice %arg13[%dma_start3A_199] : memref<1000000xf32, #tpu.memory_space<vmem_shared>> -> memref<1000000xf32, #tpu.memory_space<vmem_shared>>
    tpu.enqueue_indirect_dma source(%arg8 : memref<128xf32, #tpu.memory_space<vmem>>) target(%dma_start3A_200 : memref<1000000xf32, #tpu.memory_space<vmem_shared>>) offsets(%dma_start3A_198 : memref<128xi32, #tpu.memory_space<vmem>>) semaphore(%arg16 : memref<!tpu.dma_semaphore, #tpu.memory_space<semaphore_mem>>) {add = true}
    %dma_start3A_201 = arith.constant 5 : i32
    %dma_start3A_202 = arith.constant 0 : i32
    %dma_start3A_203 = tpu.memref_slice %arg6[%dma_start3A_201, %dma_start3A_202] : memref<8x128xi32, #tpu.memory_space<vmem>> -> memref<1x128xi32, #tpu.memory_space<vmem>>
    %dma_start3A_204 = tpu.memref_squeeze %dma_start3A_203 : memref<1x128xi32, #tpu.memory_space<vmem>> -> memref<128xi32, #tpu.memory_space<vmem>>
    %dma_start3A_205 = arith.constant 0 : i32
    %dma_start3A_206 = tpu.memref_slice %arg13[%dma_start3A_205] : memref<1000000xf32, #tpu.memory_space<vmem_shared>> -> memref<1000000xf32, #tpu.memory_space<vmem_shared>>
    tpu.enqueue_indirect_dma source(%arg8 : memref<128xf32, #tpu.memory_space<vmem>>) target(%dma_start3A_206 : memref<1000000xf32, #tpu.memory_space<vmem_shared>>) offsets(%dma_start3A_204 : memref<128xi32, #tpu.memory_space<vmem>>) semaphore(%arg16 : memref<!tpu.dma_semaphore, #tpu.memory_space<semaphore_mem>>) {add = true}
    %dma_start3A_207 = arith.constant 6 : i32
    %dma_start3A_208 = arith.constant 0 : i32
    %dma_start3A_209 = tpu.memref_slice %arg6[%dma_start3A_207, %dma_start3A_208] : memref<8x128xi32, #tpu.memory_space<vmem>> -> memref<1x128xi32, #tpu.memory_space<vmem>>
    %dma_start3A_210 = tpu.memref_squeeze %dma_start3A_209 : memref<1x128xi32, #tpu.memory_space<vmem>> -> memref<128xi32, #tpu.memory_space<vmem>>
    %dma_start3A_211 = arith.constant 0 : i32
    %dma_start3A_212 = tpu.memref_slice %arg13[%dma_start3A_211] : memref<1000000xf32, #tpu.memory_space<vmem_shared>> -> memref<1000000xf32, #tpu.memory_space<vmem_shared>>
    tpu.enqueue_indirect_dma source(%arg8 : memref<128xf32, #tpu.memory_space<vmem>>) target(%dma_start3A_212 : memref<1000000xf32, #tpu.memory_space<vmem_shared>>) offsets(%dma_start3A_210 : memref<128xi32, #tpu.memory_space<vmem>>) semaphore(%arg16 : memref<!tpu.dma_semaphore, #tpu.memory_space<semaphore_mem>>) {add = true}
    %dma_start3A_213 = arith.constant 7 : i32
    %dma_start3A_214 = arith.constant 0 : i32
    %dma_start3A_215 = tpu.memref_slice %arg6[%dma_start3A_213, %dma_start3A_214] : memref<8x128xi32, #tpu.memory_space<vmem>> -> memref<1x128xi32, #tpu.memory_space<vmem>>
    %dma_start3A_216 = tpu.memref_squeeze %dma_start3A_215 : memref<1x128xi32, #tpu.memory_space<vmem>> -> memref<128xi32, #tpu.memory_space<vmem>>
    %dma_start3A_217 = arith.constant 0 : i32
    %dma_start3A_218 = tpu.memref_slice %arg13[%dma_start3A_217] : memref<1000000xf32, #tpu.memory_space<vmem_shared>> -> memref<1000000xf32, #tpu.memory_space<vmem_shared>>
    tpu.enqueue_indirect_dma source(%arg8 : memref<128xf32, #tpu.memory_space<vmem>>) target(%dma_start3A_218 : memref<1000000xf32, #tpu.memory_space<vmem_shared>>) offsets(%dma_start3A_216 : memref<128xi32, #tpu.memory_space<vmem>>) semaphore(%arg16 : memref<!tpu.dma_semaphore, #tpu.memory_space<semaphore_mem>>) {add = true}
    %dma_wait3A_219 = arith.constant 0 : i32
    %dma_wait3A_220 = arith.constant 0 : i32
    %dma_wait3A_221 = tpu.memref_slice %arg6[%dma_wait3A_219, %dma_wait3A_220] : memref<8x128xi32, #tpu.memory_space<vmem>> -> memref<1x128xi32, #tpu.memory_space<vmem>>
    %dma_wait3A_222 = tpu.memref_squeeze %dma_wait3A_221 : memref<1x128xi32, #tpu.memory_space<vmem>> -> memref<128xi32, #tpu.memory_space<vmem>>
    %dma_wait3A_223 = arith.constant 0 : i32
    %dma_wait3A_224 = tpu.memref_slice %arg13[%dma_wait3A_223] : memref<1000000xf32, #tpu.memory_space<vmem_shared>> -> memref<1000000xf32, #tpu.memory_space<vmem_shared>>
    tpu.wait_indirect_dma semaphore(%arg16 : memref<!tpu.dma_semaphore, #tpu.memory_space<semaphore_mem>>) src(%arg8 : memref<128xf32, #tpu.memory_space<vmem>>) dst(%dma_wait3A_224 : memref<1000000xf32, #tpu.memory_space<vmem_shared>>)
    %dma_wait3A_225 = arith.constant 1 : i32
    %dma_wait3A_226 = arith.constant 0 : i32
    %dma_wait3A_227 = tpu.memref_slice %arg6[%dma_wait3A_225, %dma_wait3A_226] : memref<8x128xi32, #tpu.memory_space<vmem>> -> memref<1x128xi32, #tpu.memory_space<vmem>>
    %dma_wait3A_228 = tpu.memref_squeeze %dma_wait3A_227 : memref<1x128xi32, #tpu.memory_space<vmem>> -> memref<128xi32, #tpu.memory_space<vmem>>
    %dma_wait3A_229 = arith.constant 0 : i32
    %dma_wait3A_230 = tpu.memref_slice %arg13[%dma_wait3A_229] : memref<1000000xf32, #tpu.memory_space<vmem_shared>> -> memref<1000000xf32, #tpu.memory_space<vmem_shared>>
    tpu.wait_indirect_dma semaphore(%arg16 : memref<!tpu.dma_semaphore, #tpu.memory_space<semaphore_mem>>) src(%arg8 : memref<128xf32, #tpu.memory_space<vmem>>) dst(%dma_wait3A_230 : memref<1000000xf32, #tpu.memory_space<vmem_shared>>)
    %dma_wait3A_231 = arith.constant 2 : i32
    %dma_wait3A_232 = arith.constant 0 : i32
    %dma_wait3A_233 = tpu.memref_slice %arg6[%dma_wait3A_231, %dma_wait3A_232] : memref<8x128xi32, #tpu.memory_space<vmem>> -> memref<1x128xi32, #tpu.memory_space<vmem>>
    %dma_wait3A_234 = tpu.memref_squeeze %dma_wait3A_233 : memref<1x128xi32, #tpu.memory_space<vmem>> -> memref<128xi32, #tpu.memory_space<vmem>>
    %dma_wait3A_235 = arith.constant 0 : i32
    %dma_wait3A_236 = tpu.memref_slice %arg13[%dma_wait3A_235] : memref<1000000xf32, #tpu.memory_space<vmem_shared>> -> memref<1000000xf32, #tpu.memory_space<vmem_shared>>
    tpu.wait_indirect_dma semaphore(%arg16 : memref<!tpu.dma_semaphore, #tpu.memory_space<semaphore_mem>>) src(%arg8 : memref<128xf32, #tpu.memory_space<vmem>>) dst(%dma_wait3A_236 : memref<1000000xf32, #tpu.memory_space<vmem_shared>>)
    %dma_wait3A_237 = arith.constant 3 : i32
    %dma_wait3A_238 = arith.constant 0 : i32
    %dma_wait3A_239 = tpu.memref_slice %arg6[%dma_wait3A_237, %dma_wait3A_238] : memref<8x128xi32, #tpu.memory_space<vmem>> -> memref<1x128xi32, #tpu.memory_space<vmem>>
    %dma_wait3A_240 = tpu.memref_squeeze %dma_wait3A_239 : memref<1x128xi32, #tpu.memory_space<vmem>> -> memref<128xi32, #tpu.memory_space<vmem>>
    %dma_wait3A_241 = arith.constant 0 : i32
    %dma_wait3A_242 = tpu.memref_slice %arg13[%dma_wait3A_241] : memref<1000000xf32, #tpu.memory_space<vmem_shared>> -> memref<1000000xf32, #tpu.memory_space<vmem_shared>>
    tpu.wait_indirect_dma semaphore(%arg16 : memref<!tpu.dma_semaphore, #tpu.memory_space<semaphore_mem>>) src(%arg8 : memref<128xf32, #tpu.memory_space<vmem>>) dst(%dma_wait3A_242 : memref<1000000xf32, #tpu.memory_space<vmem_shared>>)
    %dma_wait3A_243 = arith.constant 4 : i32
    %dma_wait3A_244 = arith.constant 0 : i32
    %dma_wait3A_245 = tpu.memref_slice %arg6[%dma_wait3A_243, %dma_wait3A_244] : memref<8x128xi32, #tpu.memory_space<vmem>> -> memref<1x128xi32, #tpu.memory_space<vmem>>
    %dma_wait3A_246 = tpu.memref_squeeze %dma_wait3A_245 : memref<1x128xi32, #tpu.memory_space<vmem>> -> memref<128xi32, #tpu.memory_space<vmem>>
    %dma_wait3A_247 = arith.constant 0 : i32
    %dma_wait3A_248 = tpu.memref_slice %arg13[%dma_wait3A_247] : memref<1000000xf32, #tpu.memory_space<vmem_shared>> -> memref<1000000xf32, #tpu.memory_space<vmem_shared>>
    tpu.wait_indirect_dma semaphore(%arg16 : memref<!tpu.dma_semaphore, #tpu.memory_space<semaphore_mem>>) src(%arg8 : memref<128xf32, #tpu.memory_space<vmem>>) dst(%dma_wait3A_248 : memref<1000000xf32, #tpu.memory_space<vmem_shared>>)
    %dma_wait3A_249 = arith.constant 5 : i32
    %dma_wait3A_250 = arith.constant 0 : i32
    %dma_wait3A_251 = tpu.memref_slice %arg6[%dma_wait3A_249, %dma_wait3A_250] : memref<8x128xi32, #tpu.memory_space<vmem>> -> memref<1x128xi32, #tpu.memory_space<vmem>>
    %dma_wait3A_252 = tpu.memref_squeeze %dma_wait3A_251 : memref<1x128xi32, #tpu.memory_space<vmem>> -> memref<128xi32, #tpu.memory_space<vmem>>
    %dma_wait3A_253 = arith.constant 0 : i32
    %dma_wait3A_254 = tpu.memref_slice %arg13[%dma_wait3A_253] : memref<1000000xf32, #tpu.memory_space<vmem_shared>> -> memref<1000000xf32, #tpu.memory_space<vmem_shared>>
    tpu.wait_indirect_dma semaphore(%arg16 : memref<!tpu.dma_semaphore, #tpu.memory_space<semaphore_mem>>) src(%arg8 : memref<128xf32, #tpu.memory_space<vmem>>) dst(%dma_wait3A_254 : memref<1000000xf32, #tpu.memory_space<vmem_shared>>)
    %dma_wait3A_255 = arith.constant 6 : i32
    %dma_wait3A_256 = arith.constant 0 : i32
    %dma_wait3A_257 = tpu.memref_slice %arg6[%dma_wait3A_255, %dma_wait3A_256] : memref<8x128xi32, #tpu.memory_space<vmem>> -> memref<1x128xi32, #tpu.memory_space<vmem>>
    %dma_wait3A_258 = tpu.memref_squeeze %dma_wait3A_257 : memref<1x128xi32, #tpu.memory_space<vmem>> -> memref<128xi32, #tpu.memory_space<vmem>>
    %dma_wait3A_259 = arith.constant 0 : i32
    %dma_wait3A_260 = tpu.memref_slice %arg13[%dma_wait3A_259] : memref<1000000xf32, #tpu.memory_space<vmem_shared>> -> memref<1000000xf32, #tpu.memory_space<vmem_shared>>
    tpu.wait_indirect_dma semaphore(%arg16 : memref<!tpu.dma_semaphore, #tpu.memory_space<semaphore_mem>>) src(%arg8 : memref<128xf32, #tpu.memory_space<vmem>>) dst(%dma_wait3A_260 : memref<1000000xf32, #tpu.memory_space<vmem_shared>>)
    %dma_wait3A_261 = arith.constant 7 : i32
    %dma_wait3A_262 = arith.constant 0 : i32
    %dma_wait3A_263 = tpu.memref_slice %arg6[%dma_wait3A_261, %dma_wait3A_262] : memref<8x128xi32, #tpu.memory_space<vmem>> -> memref<1x128xi32, #tpu.memory_space<vmem>>
    %dma_wait3A_264 = tpu.memref_squeeze %dma_wait3A_263 : memref<1x128xi32, #tpu.memory_space<vmem>> -> memref<128xi32, #tpu.memory_space<vmem>>
    %dma_wait3A_265 = arith.constant 0 : i32
    %dma_wait3A_266 = tpu.memref_slice %arg13[%dma_wait3A_265] : memref<1000000xf32, #tpu.memory_space<vmem_shared>> -> memref<1000000xf32, #tpu.memory_space<vmem_shared>>
    tpu.wait_indirect_dma semaphore(%arg16 : memref<!tpu.dma_semaphore, #tpu.memory_space<semaphore_mem>>) src(%arg8 : memref<128xf32, #tpu.memory_space<vmem>>) dst(%dma_wait3A_266 : memref<1000000xf32, #tpu.memory_space<vmem_shared>>)
    %barrier3A_267 = arith.constant 0 : index
    tpu.barrier barrier_id(%barrier3A_267)
    %dma_start3A_268 = arith.constant 0 : i32
    %dma_start3A_269 = arith.constant 0 : i32
    %dma_start3A_270 = arith.constant 0 : i32
    %dma_start3A_271 = tpu.memref_slice %arg9[%dma_start3A_269, %dma_start3A_270] : memref<4x128xf32, #tpu.memory_space<vmem>> -> memref<1x128xf32, #tpu.memory_space<vmem>>
    %dma_start3A_272 = tpu.memref_squeeze %dma_start3A_271 : memref<1x128xf32, #tpu.memory_space<vmem>> -> memref<128xf32, #tpu.memory_space<vmem>>
    %dma_start3A_273 = arith.constant 0 : i32
    %dma_start3A_274 = tpu.memref_slice %arg7[%dma_start3A_268, %dma_start3A_273] : memref<4x128xi32, #tpu.memory_space<vmem>> -> memref<1x128xi32, #tpu.memory_space<vmem>>
    %dma_start3A_275 = tpu.memref_squeeze %dma_start3A_274 : memref<1x128xi32, #tpu.memory_space<vmem>> -> memref<128xi32, #tpu.memory_space<vmem>>
    %dma_start3A_276 = arith.constant 0 : i32
    %dma_start3A_277 = tpu.memref_slice %arg13[%dma_start3A_276] : memref<1000000xf32, #tpu.memory_space<vmem_shared>> -> memref<1000000xf32, #tpu.memory_space<vmem_shared>>
    tpu.enqueue_indirect_dma source(%dma_start3A_277 : memref<1000000xf32, #tpu.memory_space<vmem_shared>>) target(%dma_start3A_272 : memref<128xf32, #tpu.memory_space<vmem>>) offsets(%dma_start3A_275 : memref<128xi32, #tpu.memory_space<vmem>>) semaphore(%arg16 : memref<!tpu.dma_semaphore, #tpu.memory_space<semaphore_mem>>)
    %dma_start3A_278 = arith.constant 1 : i32
    %dma_start3A_279 = arith.constant 1 : i32
    %dma_start3A_280 = arith.constant 0 : i32
    %dma_start3A_281 = tpu.memref_slice %arg9[%dma_start3A_279, %dma_start3A_280] : memref<4x128xf32, #tpu.memory_space<vmem>> -> memref<1x128xf32, #tpu.memory_space<vmem>>
    %dma_start3A_282 = tpu.memref_squeeze %dma_start3A_281 : memref<1x128xf32, #tpu.memory_space<vmem>> -> memref<128xf32, #tpu.memory_space<vmem>>
    %dma_start3A_283 = arith.constant 0 : i32
    %dma_start3A_284 = tpu.memref_slice %arg7[%dma_start3A_278, %dma_start3A_283] : memref<4x128xi32, #tpu.memory_space<vmem>> -> memref<1x128xi32, #tpu.memory_space<vmem>>
    %dma_start3A_285 = tpu.memref_squeeze %dma_start3A_284 : memref<1x128xi32, #tpu.memory_space<vmem>> -> memref<128xi32, #tpu.memory_space<vmem>>
    %dma_start3A_286 = arith.constant 0 : i32
    %dma_start3A_287 = tpu.memref_slice %arg13[%dma_start3A_286] : memref<1000000xf32, #tpu.memory_space<vmem_shared>> -> memref<1000000xf32, #tpu.memory_space<vmem_shared>>
    tpu.enqueue_indirect_dma source(%dma_start3A_287 : memref<1000000xf32, #tpu.memory_space<vmem_shared>>) target(%dma_start3A_282 : memref<128xf32, #tpu.memory_space<vmem>>) offsets(%dma_start3A_285 : memref<128xi32, #tpu.memory_space<vmem>>) semaphore(%arg16 : memref<!tpu.dma_semaphore, #tpu.memory_space<semaphore_mem>>)
    %dma_start3A_288 = arith.constant 2 : i32
    %dma_start3A_289 = arith.constant 2 : i32
    %dma_start3A_290 = arith.constant 0 : i32
    %dma_start3A_291 = tpu.memref_slice %arg9[%dma_start3A_289, %dma_start3A_290] : memref<4x128xf32, #tpu.memory_space<vmem>> -> memref<1x128xf32, #tpu.memory_space<vmem>>
    %dma_start3A_292 = tpu.memref_squeeze %dma_start3A_291 : memref<1x128xf32, #tpu.memory_space<vmem>> -> memref<128xf32, #tpu.memory_space<vmem>>
    %dma_start3A_293 = arith.constant 0 : i32
    %dma_start3A_294 = tpu.memref_slice %arg7[%dma_start3A_288, %dma_start3A_293] : memref<4x128xi32, #tpu.memory_space<vmem>> -> memref<1x128xi32, #tpu.memory_space<vmem>>
    %dma_start3A_295 = tpu.memref_squeeze %dma_start3A_294 : memref<1x128xi32, #tpu.memory_space<vmem>> -> memref<128xi32, #tpu.memory_space<vmem>>
    %dma_start3A_296 = arith.constant 0 : i32
    %dma_start3A_297 = tpu.memref_slice %arg13[%dma_start3A_296] : memref<1000000xf32, #tpu.memory_space<vmem_shared>> -> memref<1000000xf32, #tpu.memory_space<vmem_shared>>
    tpu.enqueue_indirect_dma source(%dma_start3A_297 : memref<1000000xf32, #tpu.memory_space<vmem_shared>>) target(%dma_start3A_292 : memref<128xf32, #tpu.memory_space<vmem>>) offsets(%dma_start3A_295 : memref<128xi32, #tpu.memory_space<vmem>>) semaphore(%arg16 : memref<!tpu.dma_semaphore, #tpu.memory_space<semaphore_mem>>)
    %dma_start3A_298 = arith.constant 3 : i32
    %dma_start3A_299 = arith.constant 3 : i32
    %dma_start3A_300 = arith.constant 0 : i32
    %dma_start3A_301 = tpu.memref_slice %arg9[%dma_start3A_299, %dma_start3A_300] : memref<4x128xf32, #tpu.memory_space<vmem>> -> memref<1x128xf32, #tpu.memory_space<vmem>>
    %dma_start3A_302 = tpu.memref_squeeze %dma_start3A_301 : memref<1x128xf32, #tpu.memory_space<vmem>> -> memref<128xf32, #tpu.memory_space<vmem>>
    %dma_start3A_303 = arith.constant 0 : i32
    %dma_start3A_304 = tpu.memref_slice %arg7[%dma_start3A_298, %dma_start3A_303] : memref<4x128xi32, #tpu.memory_space<vmem>> -> memref<1x128xi32, #tpu.memory_space<vmem>>
    %dma_start3A_305 = tpu.memref_squeeze %dma_start3A_304 : memref<1x128xi32, #tpu.memory_space<vmem>> -> memref<128xi32, #tpu.memory_space<vmem>>
    %dma_start3A_306 = arith.constant 0 : i32
    %dma_start3A_307 = tpu.memref_slice %arg13[%dma_start3A_306] : memref<1000000xf32, #tpu.memory_space<vmem_shared>> -> memref<1000000xf32, #tpu.memory_space<vmem_shared>>
    tpu.enqueue_indirect_dma source(%dma_start3A_307 : memref<1000000xf32, #tpu.memory_space<vmem_shared>>) target(%dma_start3A_302 : memref<128xf32, #tpu.memory_space<vmem>>) offsets(%dma_start3A_305 : memref<128xi32, #tpu.memory_space<vmem>>) semaphore(%arg16 : memref<!tpu.dma_semaphore, #tpu.memory_space<semaphore_mem>>)
    %dma_wait3A_308 = arith.constant 0 : i32
    %dma_wait3A_309 = tpu.memref_slice %arg3[%dma_wait3A_308, %mul3A_2] : memref<32x16384xf32, #tpu.memory_space<hbm>> -> memref<32x512xf32, #tpu.memory_space<hbm>>
    %dma_wait3A_310 = arith.constant 0 : i32
    %dma_wait3A_311 = tpu.memref_slice %arg3[%dma_wait3A_310, %mul3A_2] : memref<32x16384xf32, #tpu.memory_space<hbm>> -> memref<32x512xf32, #tpu.memory_space<hbm>>
    tpu.wait_dma2 semaphore(%arg14 : memref<!tpu.dma_semaphore, #tpu.memory_space<semaphore_mem>>) src(%dma_wait3A_311 : memref<32x512xf32, #tpu.memory_space<hbm>>) dst(%arg10 : memref<32x512xf32, #tpu.memory_space<vmem>>)
    %dma_wait3A_312 = arith.constant 0 : i32
    %dma_wait3A_313 = tpu.memref_slice %arg4[%dma_wait3A_312, %mul3A_2] : memref<32x16384xf32, #tpu.memory_space<hbm>> -> memref<32x512xf32, #tpu.memory_space<hbm>>
    %dma_wait3A_314 = arith.constant 0 : i32
    %dma_wait3A_315 = tpu.memref_slice %arg4[%dma_wait3A_314, %mul3A_2] : memref<32x16384xf32, #tpu.memory_space<hbm>> -> memref<32x512xf32, #tpu.memory_space<hbm>>
    tpu.wait_dma2 semaphore(%arg15 : memref<!tpu.dma_semaphore, #tpu.memory_space<semaphore_mem>>) src(%dma_wait3A_315 : memref<32x512xf32, #tpu.memory_space<hbm>>) dst(%arg11 : memref<32x512xf32, #tpu.memory_space<vmem>>)
    %scan3A = arith.constant 0 : i32
    %scan3A_316 = arith.constant 0 : i32
    %scan3A_317 = arith.constant 32 : i32
    %scan3A_318 = arith.addi %scan3A_316, %scan3A_317 : i32
    %scan3A_319 = arith.constant 1 : i32
    scf.for %scan3A_777 = %scan3A_316 to %scan3A_318 step %scan3A_319  : i32 {
      %jit3A = arith.constant 8 : i32
      %div3A_778 = arith.divsi %scan3A_777, %jit3A : i32
      %sign3A = arith.constant 0 : i32
      %sign3A_779 = arith.cmpi sgt, %scan3A_777, %sign3A : i32
      %sign3A_780 = arith.extui %sign3A_779 : i1 to i32
      %sign3A_781 = arith.constant 0 : i32
      %sign3A_782 = arith.cmpi slt, %scan3A_777, %sign3A_781 : i32
      %sign3A_783 = arith.extui %sign3A_782 : i1 to i32
      %sign3A_784 = arith.subi %sign3A_780, %sign3A_783 : i32
      %sign3A_785 = arith.constant 0 : i32
      %sign3A_786 = arith.cmpi sgt, %jit3A, %sign3A_785 : i32
      %sign3A_787 = arith.extui %sign3A_786 : i1 to i32
      %sign3A_788 = arith.constant 0 : i32
      %sign3A_789 = arith.cmpi slt, %jit3A, %sign3A_788 : i32
      %sign3A_790 = arith.extui %sign3A_789 : i1 to i32
      %sign3A_791 = arith.subi %sign3A_787, %sign3A_790 : i32
      %ne3A = arith.cmpi ne, %sign3A_784, %sign3A_791 : i32
      %rem3A = arith.remsi %scan3A_777, %jit3A : i32
      %ne3A_792 = arith.constant 0 : i32
      %ne3A_793 = arith.cmpi ne, %rem3A, %ne3A_792 : i32
      %and3A = arith.andi %ne3A, %ne3A_793 : i1
      %sub3A = arith.constant 1 : i32
      %sub3A_794 = arith.subi %div3A_778, %sub3A : i32
      %select_n3A = arith.select %and3A, %sub3A_794, %div3A_778 : i32
      %jit3A_795 = arith.constant 8 : i32
      %eq3A = arith.constant 0 : i32
      %eq3A_796 = arith.cmpi eq, %jit3A_795, %eq3A : i32
      %jit3A_797 = arith.constant 1 : i32
      %select_n3A_798 = arith.select %eq3A_796, %jit3A_797, %jit3A_795 : i32
      %rem3A_799 = arith.remsi %scan3A_777, %select_n3A_798 : i32
      %ne3A_800 = arith.constant 0 : i32
      %ne3A_801 = arith.cmpi ne, %rem3A_799, %ne3A_800 : i32
      %lt3A = arith.constant 0 : i32
      %lt3A_802 = arith.cmpi slt, %rem3A_799, %lt3A : i32
      %lt3A_803 = arith.constant 0 : i32
      %lt3A_804 = arith.cmpi slt, %select_n3A_798, %lt3A_803 : i32
      %ne3A_805 = arith.xori %lt3A_802, %lt3A_804 : i1
      %and3A_806 = arith.andi %ne3A_805, %ne3A_801 : i1
      %add3A_807 = arith.addi %rem3A_799, %select_n3A_798 : i32
      %select_n3A_808 = arith.select %and3A_806, %add3A_807, %rem3A_799 : i32
      %mul3A_809 = arith.constant 16 : i32
      %mul3A_810 = arith.muli %select_n3A_808, %mul3A_809 : i32
      %broadcast_in_dim3A_811 = arith.constant 0.000000e+00 : f32
      %broadcast_in_dim3A_812 = vector.broadcast %broadcast_in_dim3A_811 : f32 to vector<16xf32>
      %mul3A_813 = arith.constant 16 : i32
      %mul3A_814 = arith.muli %scan3A_777, %mul3A_813 : i32
      %get3A_815 = arith.constant 0 : i32
      %get3A_816 = arith.index_cast %get3A_815 : i32 to index
      %get3A_817 = arith.index_cast %mul3A_814 : i32 to index
      %get3A_818 = tpu.vector_load %arg10[%get3A_816, %get3A_817] {strides = array<i32>} : memref<32x512xf32, #tpu.memory_space<vmem>>, vector<16xf32>,
      %mul3A_819 = arith.constant 16 : i32
      %mul3A_820 = arith.muli %scan3A_777, %mul3A_819 : i32
      %get3A_821 = arith.constant 0 : i32
      %get3A_822 = arith.index_cast %get3A_821 : i32 to index
      %get3A_823 = arith.index_cast %mul3A_820 : i32 to index
      %get3A_824 = tpu.vector_load %arg11[%get3A_822, %get3A_823] {strides = array<i32>} : memref<32x512xf32, #tpu.memory_space<vmem>>, vector<16xf32>,
      %sub3A_825 = arith.subf %get3A_818, %get3A_824 : vector<16xf32>
      %mul3A_826 = arith.mulf %sub3A_825, %sub3A_825 : vector<16xf32>
      %add3A_827 = arith.addf %broadcast_in_dim3A_812, %mul3A_826 : vector<16xf32>
      %mul3A_828 = arith.constant 16 : i32
      %mul3A_829 = arith.muli %scan3A_777, %mul3A_828 : i32
      %get3A_830 = arith.constant 1 : i32
      %get3A_831 = arith.index_cast %get3A_830 : i32 to index
      %get3A_832 = arith.index_cast %mul3A_829 : i32 to index
      %get3A_833 = tpu.vector_load %arg10[%get3A_831, %get3A_832] {strides = array<i32>} : memref<32x512xf32, #tpu.memory_space<vmem>>, vector<16xf32>,
      %mul3A_834 = arith.constant 16 : i32
      %mul3A_835 = arith.muli %scan3A_777, %mul3A_834 : i32
      %get3A_836 = arith.constant 1 : i32
      %get3A_837 = arith.index_cast %get3A_836 : i32 to index
      %get3A_838 = arith.index_cast %mul3A_835 : i32 to index
      %get3A_839 = tpu.vector_load %arg11[%get3A_837, %get3A_838] {strides = array<i32>} : memref<32x512xf32, #tpu.memory_space<vmem>>, vector<16xf32>,
      %sub3A_840 = arith.subf %get3A_833, %get3A_839 : vector<16xf32>
      %mul3A_841 = arith.mulf %sub3A_840, %sub3A_840 : vector<16xf32>
      %add3A_842 = arith.addf %add3A_827, %mul3A_841 : vector<16xf32>
      %mul3A_843 = arith.constant 16 : i32
      %mul3A_844 = arith.muli %scan3A_777, %mul3A_843 : i32
      %get3A_845 = arith.constant 2 : i32
      %get3A_846 = arith.index_cast %get3A_845 : i32 to index
      %get3A_847 = arith.index_cast %mul3A_844 : i32 to index
      %get3A_848 = tpu.vector_load %arg10[%get3A_846, %get3A_847] {strides = array<i32>} : memref<32x512xf32, #tpu.memory_space<vmem>>, vector<16xf32>,
      %mul3A_849 = arith.constant 16 : i32
      %mul3A_850 = arith.muli %scan3A_777, %mul3A_849 : i32
      %get3A_851 = arith.constant 2 : i32
      %get3A_852 = arith.index_cast %get3A_851 : i32 to index
      %get3A_853 = arith.index_cast %mul3A_850 : i32 to index
      %get3A_854 = tpu.vector_load %arg11[%get3A_852, %get3A_853] {strides = array<i32>} : memref<32x512xf32, #tpu.memory_space<vmem>>, vector<16xf32>,
      %sub3A_855 = arith.subf %get3A_848, %get3A_854 : vector<16xf32>
      %mul3A_856 = arith.mulf %sub3A_855, %sub3A_855 : vector<16xf32>
      %add3A_857 = arith.addf %add3A_842, %mul3A_856 : vector<16xf32>
      %mul3A_858 = arith.constant 16 : i32
      %mul3A_859 = arith.muli %scan3A_777, %mul3A_858 : i32
      %get3A_860 = arith.constant 3 : i32
      %get3A_861 = arith.index_cast %get3A_860 : i32 to index
      %get3A_862 = arith.index_cast %mul3A_859 : i32 to index
      %get3A_863 = tpu.vector_load %arg10[%get3A_861, %get3A_862] {strides = array<i32>} : memref<32x512xf32, #tpu.memory_space<vmem>>, vector<16xf32>,
      %mul3A_864 = arith.constant 16 : i32
      %mul3A_865 = arith.muli %scan3A_777, %mul3A_864 : i32
      %get3A_866 = arith.constant 3 : i32
      %get3A_867 = arith.index_cast %get3A_866 : i32 to index
      %get3A_868 = arith.index_cast %mul3A_865 : i32 to index
      %get3A_869 = tpu.vector_load %arg11[%get3A_867, %get3A_868] {strides = array<i32>} : memref<32x512xf32, #tpu.memory_space<vmem>>, vector<16xf32>,
      %sub3A_870 = arith.subf %get3A_863, %get3A_869 : vector<16xf32>
      %mul3A_871 = arith.mulf %sub3A_870, %sub3A_870 : vector<16xf32>
      %add3A_872 = arith.addf %add3A_857, %mul3A_871 : vector<16xf32>
      %mul3A_873 = arith.constant 16 : i32
      %mul3A_874 = arith.muli %scan3A_777, %mul3A_873 : i32
      %get3A_875 = arith.constant 4 : i32
      %get3A_876 = arith.index_cast %get3A_875 : i32 to index
      %get3A_877 = arith.index_cast %mul3A_874 : i32 to index
      %get3A_878 = tpu.vector_load %arg10[%get3A_876, %get3A_877] {strides = array<i32>} : memref<32x512xf32, #tpu.memory_space<vmem>>, vector<16xf32>,
      %mul3A_879 = arith.constant 16 : i32
      %mul3A_880 = arith.muli %scan3A_777, %mul3A_879 : i32
      %get3A_881 = arith.constant 4 : i32
      %get3A_882 = arith.index_cast %get3A_881 : i32 to index
      %get3A_883 = arith.index_cast %mul3A_880 : i32 to index
      %get3A_884 = tpu.vector_load %arg11[%get3A_882, %get3A_883] {strides = array<i32>} : memref<32x512xf32, #tpu.memory_space<vmem>>, vector<16xf32>,
      %sub3A_885 = arith.subf %get3A_878, %get3A_884 : vector<16xf32>
      %mul3A_886 = arith.mulf %sub3A_885, %sub3A_885 : vector<16xf32>
      %add3A_887 = arith.addf %add3A_872, %mul3A_886 : vector<16xf32>
      %mul3A_888 = arith.constant 16 : i32
      %mul3A_889 = arith.muli %scan3A_777, %mul3A_888 : i32
      %get3A_890 = arith.constant 5 : i32
      %get3A_891 = arith.index_cast %get3A_890 : i32 to index
      %get3A_892 = arith.index_cast %mul3A_889 : i32 to index
      %get3A_893 = tpu.vector_load %arg10[%get3A_891, %get3A_892] {strides = array<i32>} : memref<32x512xf32, #tpu.memory_space<vmem>>, vector<16xf32>,
      %mul3A_894 = arith.constant 16 : i32
      %mul3A_895 = arith.muli %scan3A_777, %mul3A_894 : i32
      %get3A_896 = arith.constant 5 : i32
      %get3A_897 = arith.index_cast %get3A_896 : i32 to index
      %get3A_898 = arith.index_cast %mul3A_895 : i32 to index
      %get3A_899 = tpu.vector_load %arg11[%get3A_897, %get3A_898] {strides = array<i32>} : memref<32x512xf32, #tpu.memory_space<vmem>>, vector<16xf32>,
      %sub3A_900 = arith.subf %get3A_893, %get3A_899 : vector<16xf32>
      %mul3A_901 = arith.mulf %sub3A_900, %sub3A_900 : vector<16xf32>
      %add3A_902 = arith.addf %add3A_887, %mul3A_901 : vector<16xf32>
      %mul3A_903 = arith.constant 16 : i32
      %mul3A_904 = arith.muli %scan3A_777, %mul3A_903 : i32
      %get3A_905 = arith.constant 6 : i32
      %get3A_906 = arith.index_cast %get3A_905 : i32 to index
      %get3A_907 = arith.index_cast %mul3A_904 : i32 to index
      %get3A_908 = tpu.vector_load %arg10[%get3A_906, %get3A_907] {strides = array<i32>} : memref<32x512xf32, #tpu.memory_space<vmem>>, vector<16xf32>,
      %mul3A_909 = arith.constant 16 : i32
      %mul3A_910 = arith.muli %scan3A_777, %mul3A_909 : i32
      %get3A_911 = arith.constant 6 : i32
      %get3A_912 = arith.index_cast %get3A_911 : i32 to index
      %get3A_913 = arith.index_cast %mul3A_910 : i32 to index
      %get3A_914 = tpu.vector_load %arg11[%get3A_912, %get3A_913] {strides = array<i32>} : memref<32x512xf32, #tpu.memory_space<vmem>>, vector<16xf32>,
      %sub3A_915 = arith.subf %get3A_908, %get3A_914 : vector<16xf32>
      %mul3A_916 = arith.mulf %sub3A_915, %sub3A_915 : vector<16xf32>
      %add3A_917 = arith.addf %add3A_902, %mul3A_916 : vector<16xf32>
      %mul3A_918 = arith.constant 16 : i32
      %mul3A_919 = arith.muli %scan3A_777, %mul3A_918 : i32
      %get3A_920 = arith.constant 7 : i32
      %get3A_921 = arith.index_cast %get3A_920 : i32 to index
      %get3A_922 = arith.index_cast %mul3A_919 : i32 to index
      %get3A_923 = tpu.vector_load %arg10[%get3A_921, %get3A_922] {strides = array<i32>} : memref<32x512xf32, #tpu.memory_space<vmem>>, vector<16xf32>,
      %mul3A_924 = arith.constant 16 : i32
      %mul3A_925 = arith.muli %scan3A_777, %mul3A_924 : i32
      %get3A_926 = arith.constant 7 : i32
      %get3A_927 = arith.index_cast %get3A_926 : i32 to index
      %get3A_928 = arith.index_cast %mul3A_925 : i32 to index
      %get3A_929 = tpu.vector_load %arg11[%get3A_927, %get3A_928] {strides = array<i32>} : memref<32x512xf32, #tpu.memory_space<vmem>>, vector<16xf32>,
      %sub3A_930 = arith.subf %get3A_923, %get3A_929 : vector<16xf32>
      %mul3A_931 = arith.mulf %sub3A_930, %sub3A_930 : vector<16xf32>
      %add3A_932 = arith.addf %add3A_917, %mul3A_931 : vector<16xf32>
      %mul3A_933 = arith.constant 16 : i32
      %mul3A_934 = arith.muli %scan3A_777, %mul3A_933 : i32
      %get3A_935 = arith.constant 8 : i32
      %get3A_936 = arith.index_cast %get3A_935 : i32 to index
      %get3A_937 = arith.index_cast %mul3A_934 : i32 to index
      %get3A_938 = tpu.vector_load %arg10[%get3A_936, %get3A_937] {strides = array<i32>} : memref<32x512xf32, #tpu.memory_space<vmem>>, vector<16xf32>,
      %mul3A_939 = arith.constant 16 : i32
      %mul3A_940 = arith.muli %scan3A_777, %mul3A_939 : i32
      %get3A_941 = arith.constant 8 : i32
      %get3A_942 = arith.index_cast %get3A_941 : i32 to index
      %get3A_943 = arith.index_cast %mul3A_940 : i32 to index
      %get3A_944 = tpu.vector_load %arg11[%get3A_942, %get3A_943] {strides = array<i32>} : memref<32x512xf32, #tpu.memory_space<vmem>>, vector<16xf32>,
      %sub3A_945 = arith.subf %get3A_938, %get3A_944 : vector<16xf32>
      %mul3A_946 = arith.mulf %sub3A_945, %sub3A_945 : vector<16xf32>
      %add3A_947 = arith.addf %add3A_932, %mul3A_946 : vector<16xf32>
      %mul3A_948 = arith.constant 16 : i32
      %mul3A_949 = arith.muli %scan3A_777, %mul3A_948 : i32
      %get3A_950 = arith.constant 9 : i32
      %get3A_951 = arith.index_cast %get3A_950 : i32 to index
      %get3A_952 = arith.index_cast %mul3A_949 : i32 to index
      %get3A_953 = tpu.vector_load %arg10[%get3A_951, %get3A_952] {strides = array<i32>} : memref<32x512xf32, #tpu.memory_space<vmem>>, vector<16xf32>,
      %mul3A_954 = arith.constant 16 : i32
      %mul3A_955 = arith.muli %scan3A_777, %mul3A_954 : i32
      %get3A_956 = arith.constant 9 : i32
      %get3A_957 = arith.index_cast %get3A_956 : i32 to index
      %get3A_958 = arith.index_cast %mul3A_955 : i32 to index
      %get3A_959 = tpu.vector_load %arg11[%get3A_957, %get3A_958] {strides = array<i32>} : memref<32x512xf32, #tpu.memory_space<vmem>>, vector<16xf32>,
      %sub3A_960 = arith.subf %get3A_953, %get3A_959 : vector<16xf32>
      %mul3A_961 = arith.mulf %sub3A_960, %sub3A_960 : vector<16xf32>
      %add3A_962 = arith.addf %add3A_947, %mul3A_961 : vector<16xf32>
      %mul3A_963 = arith.constant 16 : i32
      %mul3A_964 = arith.muli %scan3A_777, %mul3A_963 : i32
      %get3A_965 = arith.constant 10 : i32
      %get3A_966 = arith.index_cast %get3A_965 : i32 to index
      %get3A_967 = arith.index_cast %mul3A_964 : i32 to index
      %get3A_968 = tpu.vector_load %arg10[%get3A_966, %get3A_967] {strides = array<i32>} : memref<32x512xf32, #tpu.memory_space<vmem>>, vector<16xf32>,
      %mul3A_969 = arith.constant 16 : i32
      %mul3A_970 = arith.muli %scan3A_777, %mul3A_969 : i32
      %get3A_971 = arith.constant 10 : i32
      %get3A_972 = arith.index_cast %get3A_971 : i32 to index
      %get3A_973 = arith.index_cast %mul3A_970 : i32 to index
      %get3A_974 = tpu.vector_load %arg11[%get3A_972, %get3A_973] {strides = array<i32>} : memref<32x512xf32, #tpu.memory_space<vmem>>, vector<16xf32>,
      %sub3A_975 = arith.subf %get3A_968, %get3A_974 : vector<16xf32>
      %mul3A_976 = arith.mulf %sub3A_975, %sub3A_975 : vector<16xf32>
      %add3A_977 = arith.addf %add3A_962, %mul3A_976 : vector<16xf32>
      %mul3A_978 = arith.constant 16 : i32
      %mul3A_979 = arith.muli %scan3A_777, %mul3A_978 : i32
      %get3A_980 = arith.constant 11 : i32
      %get3A_981 = arith.index_cast %get3A_980 : i32 to index
      %get3A_982 = arith.index_cast %mul3A_979 : i32 to index
      %get3A_983 = tpu.vector_load %arg10[%get3A_981, %get3A_982] {strides = array<i32>} : memref<32x512xf32, #tpu.memory_space<vmem>>, vector<16xf32>,
      %mul3A_984 = arith.constant 16 : i32
      %mul3A_985 = arith.muli %scan3A_777, %mul3A_984 : i32
      %get3A_986 = arith.constant 11 : i32
      %get3A_987 = arith.index_cast %get3A_986 : i32 to index
      %get3A_988 = arith.index_cast %mul3A_985 : i32 to index
      %get3A_989 = tpu.vector_load %arg11[%get3A_987, %get3A_988] {strides = array<i32>} : memref<32x512xf32, #tpu.memory_space<vmem>>, vector<16xf32>,
      %sub3A_990 = arith.subf %get3A_983, %get3A_989 : vector<16xf32>
      %mul3A_991 = arith.mulf %sub3A_990, %sub3A_990 : vector<16xf32>
      %add3A_992 = arith.addf %add3A_977, %mul3A_991 : vector<16xf32>
      %mul3A_993 = arith.constant 16 : i32
      %mul3A_994 = arith.muli %scan3A_777, %mul3A_993 : i32
      %get3A_995 = arith.constant 12 : i32
      %get3A_996 = arith.index_cast %get3A_995 : i32 to index
      %get3A_997 = arith.index_cast %mul3A_994 : i32 to index
      %get3A_998 = tpu.vector_load %arg10[%get3A_996, %get3A_997] {strides = array<i32>} : memref<32x512xf32, #tpu.memory_space<vmem>>, vector<16xf32>,
      %mul3A_999 = arith.constant 16 : i32
      %mul3A_1000 = arith.muli %scan3A_777, %mul3A_999 : i32
      %get3A_1001 = arith.constant 12 : i32
      %get3A_1002 = arith.index_cast %get3A_1001 : i32 to index
      %get3A_1003 = arith.index_cast %mul3A_1000 : i32 to index
      %get3A_1004 = tpu.vector_load %arg11[%get3A_1002, %get3A_1003] {strides = array<i32>} : memref<32x512xf32, #tpu.memory_space<vmem>>, vector<16xf32>,
      %sub3A_1005 = arith.subf %get3A_998, %get3A_1004 : vector<16xf32>
      %mul3A_1006 = arith.mulf %sub3A_1005, %sub3A_1005 : vector<16xf32>
      %add3A_1007 = arith.addf %add3A_992, %mul3A_1006 : vector<16xf32>
      %mul3A_1008 = arith.constant 16 : i32
      %mul3A_1009 = arith.muli %scan3A_777, %mul3A_1008 : i32
      %get3A_1010 = arith.constant 13 : i32
      %get3A_1011 = arith.index_cast %get3A_1010 : i32 to index
      %get3A_1012 = arith.index_cast %mul3A_1009 : i32 to index
      %get3A_1013 = tpu.vector_load %arg10[%get3A_1011, %get3A_1012] {strides = array<i32>} : memref<32x512xf32, #tpu.memory_space<vmem>>, vector<16xf32>,
      %mul3A_1014 = arith.constant 16 : i32
      %mul3A_1015 = arith.muli %scan3A_777, %mul3A_1014 : i32
      %get3A_1016 = arith.constant 13 : i32
      %get3A_1017 = arith.index_cast %get3A_1016 : i32 to index
      %get3A_1018 = arith.index_cast %mul3A_1015 : i32 to index
      %get3A_1019 = tpu.vector_load %arg11[%get3A_1017, %get3A_1018] {strides = array<i32>} : memref<32x512xf32, #tpu.memory_space<vmem>>, vector<16xf32>,
      %sub3A_1020 = arith.subf %get3A_1013, %get3A_1019 : vector<16xf32>
      %mul3A_1021 = arith.mulf %sub3A_1020, %sub3A_1020 : vector<16xf32>
      %add3A_1022 = arith.addf %add3A_1007, %mul3A_1021 : vector<16xf32>
      %mul3A_1023 = arith.constant 16 : i32
      %mul3A_1024 = arith.muli %scan3A_777, %mul3A_1023 : i32
      %get3A_1025 = arith.constant 14 : i32
      %get3A_1026 = arith.index_cast %get3A_1025 : i32 to index
      %get3A_1027 = arith.index_cast %mul3A_1024 : i32 to index
      %get3A_1028 = tpu.vector_load %arg10[%get3A_1026, %get3A_1027] {strides = array<i32>} : memref<32x512xf32, #tpu.memory_space<vmem>>, vector<16xf32>,
      %mul3A_1029 = arith.constant 16 : i32
      %mul3A_1030 = arith.muli %scan3A_777, %mul3A_1029 : i32
      %get3A_1031 = arith.constant 14 : i32
      %get3A_1032 = arith.index_cast %get3A_1031 : i32 to index
      %get3A_1033 = arith.index_cast %mul3A_1030 : i32 to index
      %get3A_1034 = tpu.vector_load %arg11[%get3A_1032, %get3A_1033] {strides = array<i32>} : memref<32x512xf32, #tpu.memory_space<vmem>>, vector<16xf32>,
      %sub3A_1035 = arith.subf %get3A_1028, %get3A_1034 : vector<16xf32>
      %mul3A_1036 = arith.mulf %sub3A_1035, %sub3A_1035 : vector<16xf32>
      %add3A_1037 = arith.addf %add3A_1022, %mul3A_1036 : vector<16xf32>
      %mul3A_1038 = arith.constant 16 : i32
      %mul3A_1039 = arith.muli %scan3A_777, %mul3A_1038 : i32
      %get3A_1040 = arith.constant 15 : i32
      %get3A_1041 = arith.index_cast %get3A_1040 : i32 to index
      %get3A_1042 = arith.index_cast %mul3A_1039 : i32 to index
      %get3A_1043 = tpu.vector_load %arg10[%get3A_1041, %get3A_1042] {strides = array<i32>} : memref<32x512xf32, #tpu.memory_space<vmem>>, vector<16xf32>,
      %mul3A_1044 = arith.constant 16 : i32
      %mul3A_1045 = arith.muli %scan3A_777, %mul3A_1044 : i32
      %get3A_1046 = arith.constant 15 : i32
      %get3A_1047 = arith.index_cast %get3A_1046 : i32 to index
      %get3A_1048 = arith.index_cast %mul3A_1045 : i32 to index
      %get3A_1049 = tpu.vector_load %arg11[%get3A_1047, %get3A_1048] {strides = array<i32>} : memref<32x512xf32, #tpu.memory_space<vmem>>, vector<16xf32>,
      %sub3A_1050 = arith.subf %get3A_1043, %get3A_1049 : vector<16xf32>
      %mul3A_1051 = arith.mulf %sub3A_1050, %sub3A_1050 : vector<16xf32>
      %add3A_1052 = arith.addf %add3A_1037, %mul3A_1051 : vector<16xf32>
      %mul3A_1053 = arith.constant 16 : i32
      %mul3A_1054 = arith.muli %scan3A_777, %mul3A_1053 : i32
      %get3A_1055 = arith.constant 16 : i32
      %get3A_1056 = arith.index_cast %get3A_1055 : i32 to index
      %get3A_1057 = arith.index_cast %mul3A_1054 : i32 to index
      %get3A_1058 = tpu.vector_load %arg10[%get3A_1056, %get3A_1057] {strides = array<i32>} : memref<32x512xf32, #tpu.memory_space<vmem>>, vector<16xf32>,
      %mul3A_1059 = arith.constant 16 : i32
      %mul3A_1060 = arith.muli %scan3A_777, %mul3A_1059 : i32
      %get3A_1061 = arith.constant 16 : i32
      %get3A_1062 = arith.index_cast %get3A_1061 : i32 to index
      %get3A_1063 = arith.index_cast %mul3A_1060 : i32 to index
      %get3A_1064 = tpu.vector_load %arg11[%get3A_1062, %get3A_1063] {strides = array<i32>} : memref<32x512xf32, #tpu.memory_space<vmem>>, vector<16xf32>,
      %sub3A_1065 = arith.subf %get3A_1058, %get3A_1064 : vector<16xf32>
      %mul3A_1066 = arith.mulf %sub3A_1065, %sub3A_1065 : vector<16xf32>
      %add3A_1067 = arith.addf %add3A_1052, %mul3A_1066 : vector<16xf32>
      %mul3A_1068 = arith.constant 16 : i32
      %mul3A_1069 = arith.muli %scan3A_777, %mul3A_1068 : i32
      %get3A_1070 = arith.constant 17 : i32
      %get3A_1071 = arith.index_cast %get3A_1070 : i32 to index
      %get3A_1072 = arith.index_cast %mul3A_1069 : i32 to index
      %get3A_1073 = tpu.vector_load %arg10[%get3A_1071, %get3A_1072] {strides = array<i32>} : memref<32x512xf32, #tpu.memory_space<vmem>>, vector<16xf32>,
      %mul3A_1074 = arith.constant 16 : i32
      %mul3A_1075 = arith.muli %scan3A_777, %mul3A_1074 : i32
      %get3A_1076 = arith.constant 17 : i32
      %get3A_1077 = arith.index_cast %get3A_1076 : i32 to index
      %get3A_1078 = arith.index_cast %mul3A_1075 : i32 to index
      %get3A_1079 = tpu.vector_load %arg11[%get3A_1077, %get3A_1078] {strides = array<i32>} : memref<32x512xf32, #tpu.memory_space<vmem>>, vector<16xf32>,
      %sub3A_1080 = arith.subf %get3A_1073, %get3A_1079 : vector<16xf32>
      %mul3A_1081 = arith.mulf %sub3A_1080, %sub3A_1080 : vector<16xf32>
      %add3A_1082 = arith.addf %add3A_1067, %mul3A_1081 : vector<16xf32>
      %mul3A_1083 = arith.constant 16 : i32
      %mul3A_1084 = arith.muli %scan3A_777, %mul3A_1083 : i32
      %get3A_1085 = arith.constant 18 : i32
      %get3A_1086 = arith.index_cast %get3A_1085 : i32 to index
      %get3A_1087 = arith.index_cast %mul3A_1084 : i32 to index
      %get3A_1088 = tpu.vector_load %arg10[%get3A_1086, %get3A_1087] {strides = array<i32>} : memref<32x512xf32, #tpu.memory_space<vmem>>, vector<16xf32>,
      %mul3A_1089 = arith.constant 16 : i32
      %mul3A_1090 = arith.muli %scan3A_777, %mul3A_1089 : i32
      %get3A_1091 = arith.constant 18 : i32
      %get3A_1092 = arith.index_cast %get3A_1091 : i32 to index
      %get3A_1093 = arith.index_cast %mul3A_1090 : i32 to index
      %get3A_1094 = tpu.vector_load %arg11[%get3A_1092, %get3A_1093] {strides = array<i32>} : memref<32x512xf32, #tpu.memory_space<vmem>>, vector<16xf32>,
      %sub3A_1095 = arith.subf %get3A_1088, %get3A_1094 : vector<16xf32>
      %mul3A_1096 = arith.mulf %sub3A_1095, %sub3A_1095 : vector<16xf32>
      %add3A_1097 = arith.addf %add3A_1082, %mul3A_1096 : vector<16xf32>
      %mul3A_1098 = arith.constant 16 : i32
      %mul3A_1099 = arith.muli %scan3A_777, %mul3A_1098 : i32
      %get3A_1100 = arith.constant 19 : i32
      %get3A_1101 = arith.index_cast %get3A_1100 : i32 to index
      %get3A_1102 = arith.index_cast %mul3A_1099 : i32 to index
      %get3A_1103 = tpu.vector_load %arg10[%get3A_1101, %get3A_1102] {strides = array<i32>} : memref<32x512xf32, #tpu.memory_space<vmem>>, vector<16xf32>,
      %mul3A_1104 = arith.constant 16 : i32
      %mul3A_1105 = arith.muli %scan3A_777, %mul3A_1104 : i32
      %get3A_1106 = arith.constant 19 : i32
      %get3A_1107 = arith.index_cast %get3A_1106 : i32 to index
      %get3A_1108 = arith.index_cast %mul3A_1105 : i32 to index
      %get3A_1109 = tpu.vector_load %arg11[%get3A_1107, %get3A_1108] {strides = array<i32>} : memref<32x512xf32, #tpu.memory_space<vmem>>, vector<16xf32>,
      %sub3A_1110 = arith.subf %get3A_1103, %get3A_1109 : vector<16xf32>
      %mul3A_1111 = arith.mulf %sub3A_1110, %sub3A_1110 : vector<16xf32>
      %add3A_1112 = arith.addf %add3A_1097, %mul3A_1111 : vector<16xf32>
      %mul3A_1113 = arith.constant 16 : i32
      %mul3A_1114 = arith.muli %scan3A_777, %mul3A_1113 : i32
      %get3A_1115 = arith.constant 20 : i32
      %get3A_1116 = arith.index_cast %get3A_1115 : i32 to index
      %get3A_1117 = arith.index_cast %mul3A_1114 : i32 to index
      %get3A_1118 = tpu.vector_load %arg10[%get3A_1116, %get3A_1117] {strides = array<i32>} : memref<32x512xf32, #tpu.memory_space<vmem>>, vector<16xf32>,
      %mul3A_1119 = arith.constant 16 : i32
      %mul3A_1120 = arith.muli %scan3A_777, %mul3A_1119 : i32
      %get3A_1121 = arith.constant 20 : i32
      %get3A_1122 = arith.index_cast %get3A_1121 : i32 to index
      %get3A_1123 = arith.index_cast %mul3A_1120 : i32 to index
      %get3A_1124 = tpu.vector_load %arg11[%get3A_1122, %get3A_1123] {strides = array<i32>} : memref<32x512xf32, #tpu.memory_space<vmem>>, vector<16xf32>,
      %sub3A_1125 = arith.subf %get3A_1118, %get3A_1124 : vector<16xf32>
      %mul3A_1126 = arith.mulf %sub3A_1125, %sub3A_1125 : vector<16xf32>
      %add3A_1127 = arith.addf %add3A_1112, %mul3A_1126 : vector<16xf32>
      %mul3A_1128 = arith.constant 16 : i32
      %mul3A_1129 = arith.muli %scan3A_777, %mul3A_1128 : i32
      %get3A_1130 = arith.constant 21 : i32
      %get3A_1131 = arith.index_cast %get3A_1130 : i32 to index
      %get3A_1132 = arith.index_cast %mul3A_1129 : i32 to index
      %get3A_1133 = tpu.vector_load %arg10[%get3A_1131, %get3A_1132] {strides = array<i32>} : memref<32x512xf32, #tpu.memory_space<vmem>>, vector<16xf32>,
      %mul3A_1134 = arith.constant 16 : i32
      %mul3A_1135 = arith.muli %scan3A_777, %mul3A_1134 : i32
      %get3A_1136 = arith.constant 21 : i32
      %get3A_1137 = arith.index_cast %get3A_1136 : i32 to index
      %get3A_1138 = arith.index_cast %mul3A_1135 : i32 to index
      %get3A_1139 = tpu.vector_load %arg11[%get3A_1137, %get3A_1138] {strides = array<i32>} : memref<32x512xf32, #tpu.memory_space<vmem>>, vector<16xf32>,
      %sub3A_1140 = arith.subf %get3A_1133, %get3A_1139 : vector<16xf32>
      %mul3A_1141 = arith.mulf %sub3A_1140, %sub3A_1140 : vector<16xf32>
      %add3A_1142 = arith.addf %add3A_1127, %mul3A_1141 : vector<16xf32>
      %mul3A_1143 = arith.constant 16 : i32
      %mul3A_1144 = arith.muli %scan3A_777, %mul3A_1143 : i32
      %get3A_1145 = arith.constant 22 : i32
      %get3A_1146 = arith.index_cast %get3A_1145 : i32 to index
      %get3A_1147 = arith.index_cast %mul3A_1144 : i32 to index
      %get3A_1148 = tpu.vector_load %arg10[%get3A_1146, %get3A_1147] {strides = array<i32>} : memref<32x512xf32, #tpu.memory_space<vmem>>, vector<16xf32>,
      %mul3A_1149 = arith.constant 16 : i32
      %mul3A_1150 = arith.muli %scan3A_777, %mul3A_1149 : i32
      %get3A_1151 = arith.constant 22 : i32
      %get3A_1152 = arith.index_cast %get3A_1151 : i32 to index
      %get3A_1153 = arith.index_cast %mul3A_1150 : i32 to index
      %get3A_1154 = tpu.vector_load %arg11[%get3A_1152, %get3A_1153] {strides = array<i32>} : memref<32x512xf32, #tpu.memory_space<vmem>>, vector<16xf32>,
      %sub3A_1155 = arith.subf %get3A_1148, %get3A_1154 : vector<16xf32>
      %mul3A_1156 = arith.mulf %sub3A_1155, %sub3A_1155 : vector<16xf32>
      %add3A_1157 = arith.addf %add3A_1142, %mul3A_1156 : vector<16xf32>
      %mul3A_1158 = arith.constant 16 : i32
      %mul3A_1159 = arith.muli %scan3A_777, %mul3A_1158 : i32
      %get3A_1160 = arith.constant 23 : i32
      %get3A_1161 = arith.index_cast %get3A_1160 : i32 to index
      %get3A_1162 = arith.index_cast %mul3A_1159 : i32 to index
      %get3A_1163 = tpu.vector_load %arg10[%get3A_1161, %get3A_1162] {strides = array<i32>} : memref<32x512xf32, #tpu.memory_space<vmem>>, vector<16xf32>,
      %mul3A_1164 = arith.constant 16 : i32
      %mul3A_1165 = arith.muli %scan3A_777, %mul3A_1164 : i32
      %get3A_1166 = arith.constant 23 : i32
      %get3A_1167 = arith.index_cast %get3A_1166 : i32 to index
      %get3A_1168 = arith.index_cast %mul3A_1165 : i32 to index
      %get3A_1169 = tpu.vector_load %arg11[%get3A_1167, %get3A_1168] {strides = array<i32>} : memref<32x512xf32, #tpu.memory_space<vmem>>, vector<16xf32>,
      %sub3A_1170 = arith.subf %get3A_1163, %get3A_1169 : vector<16xf32>
      %mul3A_1171 = arith.mulf %sub3A_1170, %sub3A_1170 : vector<16xf32>
      %add3A_1172 = arith.addf %add3A_1157, %mul3A_1171 : vector<16xf32>
      %mul3A_1173 = arith.constant 16 : i32
      %mul3A_1174 = arith.muli %scan3A_777, %mul3A_1173 : i32
      %get3A_1175 = arith.constant 24 : i32
      %get3A_1176 = arith.index_cast %get3A_1175 : i32 to index
      %get3A_1177 = arith.index_cast %mul3A_1174 : i32 to index
      %get3A_1178 = tpu.vector_load %arg10[%get3A_1176, %get3A_1177] {strides = array<i32>} : memref<32x512xf32, #tpu.memory_space<vmem>>, vector<16xf32>,
      %mul3A_1179 = arith.constant 16 : i32
      %mul3A_1180 = arith.muli %scan3A_777, %mul3A_1179 : i32
      %get3A_1181 = arith.constant 24 : i32
      %get3A_1182 = arith.index_cast %get3A_1181 : i32 to index
      %get3A_1183 = arith.index_cast %mul3A_1180 : i32 to index
      %get3A_1184 = tpu.vector_load %arg11[%get3A_1182, %get3A_1183] {strides = array<i32>} : memref<32x512xf32, #tpu.memory_space<vmem>>, vector<16xf32>,
      %sub3A_1185 = arith.subf %get3A_1178, %get3A_1184 : vector<16xf32>
      %mul3A_1186 = arith.mulf %sub3A_1185, %sub3A_1185 : vector<16xf32>
      %add3A_1187 = arith.addf %add3A_1172, %mul3A_1186 : vector<16xf32>
      %mul3A_1188 = arith.constant 16 : i32
      %mul3A_1189 = arith.muli %scan3A_777, %mul3A_1188 : i32
      %get3A_1190 = arith.constant 25 : i32
      %get3A_1191 = arith.index_cast %get3A_1190 : i32 to index
      %get3A_1192 = arith.index_cast %mul3A_1189 : i32 to index
      %get3A_1193 = tpu.vector_load %arg10[%get3A_1191, %get3A_1192] {strides = array<i32>} : memref<32x512xf32, #tpu.memory_space<vmem>>, vector<16xf32>,
      %mul3A_1194 = arith.constant 16 : i32
      %mul3A_1195 = arith.muli %scan3A_777, %mul3A_1194 : i32
      %get3A_1196 = arith.constant 25 : i32
      %get3A_1197 = arith.index_cast %get3A_1196 : i32 to index
      %get3A_1198 = arith.index_cast %mul3A_1195 : i32 to index
      %get3A_1199 = tpu.vector_load %arg11[%get3A_1197, %get3A_1198] {strides = array<i32>} : memref<32x512xf32, #tpu.memory_space<vmem>>, vector<16xf32>,
      %sub3A_1200 = arith.subf %get3A_1193, %get3A_1199 : vector<16xf32>
      %mul3A_1201 = arith.mulf %sub3A_1200, %sub3A_1200 : vector<16xf32>
      %add3A_1202 = arith.addf %add3A_1187, %mul3A_1201 : vector<16xf32>
      %mul3A_1203 = arith.constant 16 : i32
      %mul3A_1204 = arith.muli %scan3A_777, %mul3A_1203 : i32
      %get3A_1205 = arith.constant 26 : i32
      %get3A_1206 = arith.index_cast %get3A_1205 : i32 to index
      %get3A_1207 = arith.index_cast %mul3A_1204 : i32 to index
      %get3A_1208 = tpu.vector_load %arg10[%get3A_1206, %get3A_1207] {strides = array<i32>} : memref<32x512xf32, #tpu.memory_space<vmem>>, vector<16xf32>,
      %mul3A_1209 = arith.constant 16 : i32
      %mul3A_1210 = arith.muli %scan3A_777, %mul3A_1209 : i32
      %get3A_1211 = arith.constant 26 : i32
      %get3A_1212 = arith.index_cast %get3A_1211 : i32 to index
      %get3A_1213 = arith.index_cast %mul3A_1210 : i32 to index
      %get3A_1214 = tpu.vector_load %arg11[%get3A_1212, %get3A_1213] {strides = array<i32>} : memref<32x512xf32, #tpu.memory_space<vmem>>, vector<16xf32>,
      %sub3A_1215 = arith.subf %get3A_1208, %get3A_1214 : vector<16xf32>
      %mul3A_1216 = arith.mulf %sub3A_1215, %sub3A_1215 : vector<16xf32>
      %add3A_1217 = arith.addf %add3A_1202, %mul3A_1216 : vector<16xf32>
      %mul3A_1218 = arith.constant 16 : i32
      %mul3A_1219 = arith.muli %scan3A_777, %mul3A_1218 : i32
      %get3A_1220 = arith.constant 27 : i32
      %get3A_1221 = arith.index_cast %get3A_1220 : i32 to index
      %get3A_1222 = arith.index_cast %mul3A_1219 : i32 to index
      %get3A_1223 = tpu.vector_load %arg10[%get3A_1221, %get3A_1222] {strides = array<i32>} : memref<32x512xf32, #tpu.memory_space<vmem>>, vector<16xf32>,
      %mul3A_1224 = arith.constant 16 : i32
      %mul3A_1225 = arith.muli %scan3A_777, %mul3A_1224 : i32
      %get3A_1226 = arith.constant 27 : i32
      %get3A_1227 = arith.index_cast %get3A_1226 : i32 to index
      %get3A_1228 = arith.index_cast %mul3A_1225 : i32 to index
      %get3A_1229 = tpu.vector_load %arg11[%get3A_1227, %get3A_1228] {strides = array<i32>} : memref<32x512xf32, #tpu.memory_space<vmem>>, vector<16xf32>,
      %sub3A_1230 = arith.subf %get3A_1223, %get3A_1229 : vector<16xf32>
      %mul3A_1231 = arith.mulf %sub3A_1230, %sub3A_1230 : vector<16xf32>
      %add3A_1232 = arith.addf %add3A_1217, %mul3A_1231 : vector<16xf32>
      %mul3A_1233 = arith.constant 16 : i32
      %mul3A_1234 = arith.muli %scan3A_777, %mul3A_1233 : i32
      %get3A_1235 = arith.constant 28 : i32
      %get3A_1236 = arith.index_cast %get3A_1235 : i32 to index
      %get3A_1237 = arith.index_cast %mul3A_1234 : i32 to index
      %get3A_1238 = tpu.vector_load %arg10[%get3A_1236, %get3A_1237] {strides = array<i32>} : memref<32x512xf32, #tpu.memory_space<vmem>>, vector<16xf32>,
      %mul3A_1239 = arith.constant 16 : i32
      %mul3A_1240 = arith.muli %scan3A_777, %mul3A_1239 : i32
      %get3A_1241 = arith.constant 28 : i32
      %get3A_1242 = arith.index_cast %get3A_1241 : i32 to index
      %get3A_1243 = arith.index_cast %mul3A_1240 : i32 to index
      %get3A_1244 = tpu.vector_load %arg11[%get3A_1242, %get3A_1243] {strides = array<i32>} : memref<32x512xf32, #tpu.memory_space<vmem>>, vector<16xf32>,
      %sub3A_1245 = arith.subf %get3A_1238, %get3A_1244 : vector<16xf32>
      %mul3A_1246 = arith.mulf %sub3A_1245, %sub3A_1245 : vector<16xf32>
      %add3A_1247 = arith.addf %add3A_1232, %mul3A_1246 : vector<16xf32>
      %mul3A_1248 = arith.constant 16 : i32
      %mul3A_1249 = arith.muli %scan3A_777, %mul3A_1248 : i32
      %get3A_1250 = arith.constant 29 : i32
      %get3A_1251 = arith.index_cast %get3A_1250 : i32 to index
      %get3A_1252 = arith.index_cast %mul3A_1249 : i32 to index
      %get3A_1253 = tpu.vector_load %arg10[%get3A_1251, %get3A_1252] {strides = array<i32>} : memref<32x512xf32, #tpu.memory_space<vmem>>, vector<16xf32>,
      %mul3A_1254 = arith.constant 16 : i32
      %mul3A_1255 = arith.muli %scan3A_777, %mul3A_1254 : i32
      %get3A_1256 = arith.constant 29 : i32
      %get3A_1257 = arith.index_cast %get3A_1256 : i32 to index
      %get3A_1258 = arith.index_cast %mul3A_1255 : i32 to index
      %get3A_1259 = tpu.vector_load %arg11[%get3A_1257, %get3A_1258] {strides = array<i32>} : memref<32x512xf32, #tpu.memory_space<vmem>>, vector<16xf32>,
      %sub3A_1260 = arith.subf %get3A_1253, %get3A_1259 : vector<16xf32>
      %mul3A_1261 = arith.mulf %sub3A_1260, %sub3A_1260 : vector<16xf32>
      %add3A_1262 = arith.addf %add3A_1247, %mul3A_1261 : vector<16xf32>
      %mul3A_1263 = arith.constant 16 : i32
      %mul3A_1264 = arith.muli %scan3A_777, %mul3A_1263 : i32
      %get3A_1265 = arith.constant 30 : i32
      %get3A_1266 = arith.index_cast %get3A_1265 : i32 to index
      %get3A_1267 = arith.index_cast %mul3A_1264 : i32 to index
      %get3A_1268 = tpu.vector_load %arg10[%get3A_1266, %get3A_1267] {strides = array<i32>} : memref<32x512xf32, #tpu.memory_space<vmem>>, vector<16xf32>,
      %mul3A_1269 = arith.constant 16 : i32
      %mul3A_1270 = arith.muli %scan3A_777, %mul3A_1269 : i32
      %get3A_1271 = arith.constant 30 : i32
      %get3A_1272 = arith.index_cast %get3A_1271 : i32 to index
      %get3A_1273 = arith.index_cast %mul3A_1270 : i32 to index
      %get3A_1274 = tpu.vector_load %arg11[%get3A_1272, %get3A_1273] {strides = array<i32>} : memref<32x512xf32, #tpu.memory_space<vmem>>, vector<16xf32>,
      %sub3A_1275 = arith.subf %get3A_1268, %get3A_1274 : vector<16xf32>
      %mul3A_1276 = arith.mulf %sub3A_1275, %sub3A_1275 : vector<16xf32>
      %add3A_1277 = arith.addf %add3A_1262, %mul3A_1276 : vector<16xf32>
      %mul3A_1278 = arith.constant 16 : i32
      %mul3A_1279 = arith.muli %scan3A_777, %mul3A_1278 : i32
      %get3A_1280 = arith.constant 31 : i32
      %get3A_1281 = arith.index_cast %get3A_1280 : i32 to index
      %get3A_1282 = arith.index_cast %mul3A_1279 : i32 to index
      %get3A_1283 = tpu.vector_load %arg10[%get3A_1281, %get3A_1282] {strides = array<i32>} : memref<32x512xf32, #tpu.memory_space<vmem>>, vector<16xf32>,
      %mul3A_1284 = arith.constant 16 : i32
      %mul3A_1285 = arith.muli %scan3A_777, %mul3A_1284 : i32
      %get3A_1286 = arith.constant 31 : i32
      %get3A_1287 = arith.index_cast %get3A_1286 : i32 to index
      %get3A_1288 = arith.index_cast %mul3A_1285 : i32 to index
      %get3A_1289 = tpu.vector_load %arg11[%get3A_1287, %get3A_1288] {strides = array<i32>} : memref<32x512xf32, #tpu.memory_space<vmem>>, vector<16xf32>,
      %sub3A_1290 = arith.subf %get3A_1283, %get3A_1289 : vector<16xf32>
      %mul3A_1291 = arith.mulf %sub3A_1290, %sub3A_1290 : vector<16xf32>
      %add3A_1292 = arith.addf %add3A_1277, %mul3A_1291 : vector<16xf32>
      %swap3A_1293 = arith.index_cast %select_n3A : i32 to index
      %swap3A_1294 = arith.index_cast %mul3A_810 : i32 to index
      %swap3A_1295 = tpu.vector_load %arg12[%swap3A_1293, %swap3A_1294] {strides = array<i32>} : memref<4x128xf32, #tpu.memory_space<vmem>>, vector<16xf32>,
      tpu.vector_store %arg12[%swap3A_1293, %swap3A_1294], %add3A_1292 {strides = array<i32>} : memref<4x128xf32, #tpu.memory_space<vmem>>, vector<16xf32>,
    }
    %scan3A_320 = arith.constant 32 : i32
    %dma_wait3A_321 = arith.constant 0 : i32
    %dma_wait3A_322 = arith.constant 0 : i32
    %dma_wait3A_323 = arith.constant 0 : i32
    %dma_wait3A_324 = tpu.memref_slice %arg9[%dma_wait3A_322, %dma_wait3A_323] : memref<4x128xf32, #tpu.memory_space<vmem>> -> memref<1x128xf32, #tpu.memory_space<vmem>>
    %dma_wait3A_325 = tpu.memref_squeeze %dma_wait3A_324 : memref<1x128xf32, #tpu.memory_space<vmem>> -> memref<128xf32, #tpu.memory_space<vmem>>
    %dma_wait3A_326 = arith.constant 0 : i32
    %dma_wait3A_327 = tpu.memref_slice %arg7[%dma_wait3A_321, %dma_wait3A_326] : memref<4x128xi32, #tpu.memory_space<vmem>> -> memref<1x128xi32, #tpu.memory_space<vmem>>
    %dma_wait3A_328 = tpu.memref_squeeze %dma_wait3A_327 : memref<1x128xi32, #tpu.memory_space<vmem>> -> memref<128xi32, #tpu.memory_space<vmem>>
    %dma_wait3A_329 = arith.constant 0 : i32
    %dma_wait3A_330 = tpu.memref_slice %arg13[%dma_wait3A_329] : memref<1000000xf32, #tpu.memory_space<vmem_shared>> -> memref<1000000xf32, #tpu.memory_space<vmem_shared>>
    tpu.wait_indirect_dma semaphore(%arg16 : memref<!tpu.dma_semaphore, #tpu.memory_space<semaphore_mem>>) src(%dma_wait3A_330 : memref<1000000xf32, #tpu.memory_space<vmem_shared>>) dst(%dma_wait3A_325 : memref<128xf32, #tpu.memory_space<vmem>>)
    %dma_wait3A_331 = arith.constant 1 : i32
    %dma_wait3A_332 = arith.constant 1 : i32
    %dma_wait3A_333 = arith.constant 0 : i32
    %dma_wait3A_334 = tpu.memref_slice %arg9[%dma_wait3A_332, %dma_wait3A_333] : memref<4x128xf32, #tpu.memory_space<vmem>> -> memref<1x128xf32, #tpu.memory_space<vmem>>
    %dma_wait3A_335 = tpu.memref_squeeze %dma_wait3A_334 : memref<1x128xf32, #tpu.memory_space<vmem>> -> memref<128xf32, #tpu.memory_space<vmem>>
    %dma_wait3A_336 = arith.constant 0 : i32
    %dma_wait3A_337 = tpu.memref_slice %arg7[%dma_wait3A_331, %dma_wait3A_336] : memref<4x128xi32, #tpu.memory_space<vmem>> -> memref<1x128xi32, #tpu.memory_space<vmem>>
    %dma_wait3A_338 = tpu.memref_squeeze %dma_wait3A_337 : memref<1x128xi32, #tpu.memory_space<vmem>> -> memref<128xi32, #tpu.memory_space<vmem>>
    %dma_wait3A_339 = arith.constant 0 : i32
    %dma_wait3A_340 = tpu.memref_slice %arg13[%dma_wait3A_339] : memref<1000000xf32, #tpu.memory_space<vmem_shared>> -> memref<1000000xf32, #tpu.memory_space<vmem_shared>>
    tpu.wait_indirect_dma semaphore(%arg16 : memref<!tpu.dma_semaphore, #tpu.memory_space<semaphore_mem>>) src(%dma_wait3A_340 : memref<1000000xf32, #tpu.memory_space<vmem_shared>>) dst(%dma_wait3A_335 : memref<128xf32, #tpu.memory_space<vmem>>)
    %dma_wait3A_341 = arith.constant 2 : i32
    %dma_wait3A_342 = arith.constant 2 : i32
    %dma_wait3A_343 = arith.constant 0 : i32
    %dma_wait3A_344 = tpu.memref_slice %arg9[%dma_wait3A_342, %dma_wait3A_343] : memref<4x128xf32, #tpu.memory_space<vmem>> -> memref<1x128xf32, #tpu.memory_space<vmem>>
    %dma_wait3A_345 = tpu.memref_squeeze %dma_wait3A_344 : memref<1x128xf32, #tpu.memory_space<vmem>> -> memref<128xf32, #tpu.memory_space<vmem>>
    %dma_wait3A_346 = arith.constant 0 : i32
    %dma_wait3A_347 = tpu.memref_slice %arg7[%dma_wait3A_341, %dma_wait3A_346] : memref<4x128xi32, #tpu.memory_space<vmem>> -> memref<1x128xi32, #tpu.memory_space<vmem>>
    %dma_wait3A_348 = tpu.memref_squeeze %dma_wait3A_347 : memref<1x128xi32, #tpu.memory_space<vmem>> -> memref<128xi32, #tpu.memory_space<vmem>>
    %dma_wait3A_349 = arith.constant 0 : i32
    %dma_wait3A_350 = tpu.memref_slice %arg13[%dma_wait3A_349] : memref<1000000xf32, #tpu.memory_space<vmem_shared>> -> memref<1000000xf32, #tpu.memory_space<vmem_shared>>
    tpu.wait_indirect_dma semaphore(%arg16 : memref<!tpu.dma_semaphore, #tpu.memory_space<semaphore_mem>>) src(%dma_wait3A_350 : memref<1000000xf32, #tpu.memory_space<vmem_shared>>) dst(%dma_wait3A_345 : memref<128xf32, #tpu.memory_space<vmem>>)
    %dma_wait3A_351 = arith.constant 3 : i32
    %dma_wait3A_352 = arith.constant 3 : i32
    %dma_wait3A_353 = arith.constant 0 : i32
    %dma_wait3A_354 = tpu.memref_slice %arg9[%dma_wait3A_352, %dma_wait3A_353] : memref<4x128xf32, #tpu.memory_space<vmem>> -> memref<1x128xf32, #tpu.memory_space<vmem>>
    %dma_wait3A_355 = tpu.memref_squeeze %dma_wait3A_354 : memref<1x128xf32, #tpu.memory_space<vmem>> -> memref<128xf32, #tpu.memory_space<vmem>>
    %dma_wait3A_356 = arith.constant 0 : i32
    %dma_wait3A_357 = tpu.memref_slice %arg7[%dma_wait3A_351, %dma_wait3A_356] : memref<4x128xi32, #tpu.memory_space<vmem>> -> memref<1x128xi32, #tpu.memory_space<vmem>>
    %dma_wait3A_358 = tpu.memref_squeeze %dma_wait3A_357 : memref<1x128xi32, #tpu.memory_space<vmem>> -> memref<128xi32, #tpu.memory_space<vmem>>
    %dma_wait3A_359 = arith.constant 0 : i32
    %dma_wait3A_360 = tpu.memref_slice %arg13[%dma_wait3A_359] : memref<1000000xf32, #tpu.memory_space<vmem_shared>> -> memref<1000000xf32, #tpu.memory_space<vmem_shared>>
    tpu.wait_indirect_dma semaphore(%arg16 : memref<!tpu.dma_semaphore, #tpu.memory_space<semaphore_mem>>) src(%dma_wait3A_360 : memref<1000000xf32, #tpu.memory_space<vmem_shared>>) dst(%dma_wait3A_355 : memref<128xf32, #tpu.memory_space<vmem>>)
    %get3A = arith.constant 0 : i32
    %get3A_361 = arith.index_cast %get3A : i32 to index
    %get3A_362 = arith.constant 0 : index
    %get3A_363 = tpu.vector_load %arg12[%get3A_361, %get3A_362] {strides = array<i32>} : memref<4x128xf32, #tpu.memory_space<vmem>>, vector<16xf32>,
    %get3A_364 = arith.constant 0 : i32
    %get3A_365 = arith.index_cast %get3A_364 : i32 to index
    %get3A_366 = arith.constant 0 : index
    %get3A_367 = tpu.vector_load %arg9[%get3A_365, %get3A_366] {strides = array<i32>} : memref<4x128xf32, #tpu.memory_space<vmem>>, vector<16xf32>,
    %div3A = arith.divf %get3A_363, %get3A_367 : vector<16xf32>
    %swap3A_368 = arith.constant 0 : i32
    %swap3A_369 = arith.index_cast %swap3A_368 : i32 to index
    %swap3A_370 = arith.constant 0 : index
    %swap3A_371 = tpu.vector_load %arg12[%swap3A_369, %swap3A_370] {strides = array<i32>} : memref<4x128xf32, #tpu.memory_space<vmem>>, vector<16xf32>,
    tpu.vector_store %arg12[%swap3A_369, %swap3A_370], %div3A {strides = array<i32>} : memref<4x128xf32, #tpu.memory_space<vmem>>, vector<16xf32>,
    %get3A_372 = arith.constant 0 : i32
    %get3A_373 = arith.index_cast %get3A_372 : i32 to index
    %get3A_374 = arith.constant 16 : index
    %get3A_375 = tpu.vector_load %arg12[%get3A_373, %get3A_374] {strides = array<i32>} : memref<4x128xf32, #tpu.memory_space<vmem>>, vector<16xf32>,
    %get3A_376 = arith.constant 0 : i32
    %get3A_377 = arith.index_cast %get3A_376 : i32 to index
    %get3A_378 = arith.constant 16 : index
    %get3A_379 = tpu.vector_load %arg9[%get3A_377, %get3A_378] {strides = array<i32>} : memref<4x128xf32, #tpu.memory_space<vmem>>, vector<16xf32>,
    %div3A_380 = arith.divf %get3A_375, %get3A_379 : vector<16xf32>
    %swap3A_381 = arith.constant 0 : i32
    %swap3A_382 = arith.index_cast %swap3A_381 : i32 to index
    %swap3A_383 = arith.constant 16 : index
    %swap3A_384 = tpu.vector_load %arg12[%swap3A_382, %swap3A_383] {strides = array<i32>} : memref<4x128xf32, #tpu.memory_space<vmem>>, vector<16xf32>,
    tpu.vector_store %arg12[%swap3A_382, %swap3A_383], %div3A_380 {strides = array<i32>} : memref<4x128xf32, #tpu.memory_space<vmem>>, vector<16xf32>,
    %get3A_385 = arith.constant 0 : i32
    %get3A_386 = arith.index_cast %get3A_385 : i32 to index
    %get3A_387 = arith.constant 32 : index
    %get3A_388 = tpu.vector_load %arg12[%get3A_386, %get3A_387] {strides = array<i32>} : memref<4x128xf32, #tpu.memory_space<vmem>>, vector<16xf32>,
    %get3A_389 = arith.constant 0 : i32
    %get3A_390 = arith.index_cast %get3A_389 : i32 to index
    %get3A_391 = arith.constant 32 : index
    %get3A_392 = tpu.vector_load %arg9[%get3A_390, %get3A_391] {strides = array<i32>} : memref<4x128xf32, #tpu.memory_space<vmem>>, vector<16xf32>,
    %div3A_393 = arith.divf %get3A_388, %get3A_392 : vector<16xf32>
    %swap3A_394 = arith.constant 0 : i32
    %swap3A_395 = arith.index_cast %swap3A_394 : i32 to index
    %swap3A_396 = arith.constant 32 : index
    %swap3A_397 = tpu.vector_load %arg12[%swap3A_395, %swap3A_396] {strides = array<i32>} : memref<4x128xf32, #tpu.memory_space<vmem>>, vector<16xf32>,
    tpu.vector_store %arg12[%swap3A_395, %swap3A_396], %div3A_393 {strides = array<i32>} : memref<4x128xf32, #tpu.memory_space<vmem>>, vector<16xf32>,
    %get3A_398 = arith.constant 0 : i32
    %get3A_399 = arith.index_cast %get3A_398 : i32 to index
    %get3A_400 = arith.constant 48 : index
    %get3A_401 = tpu.vector_load %arg12[%get3A_399, %get3A_400] {strides = array<i32>} : memref<4x128xf32, #tpu.memory_space<vmem>>, vector<16xf32>,
    %get3A_402 = arith.constant 0 : i32
    %get3A_403 = arith.index_cast %get3A_402 : i32 to index
    %get3A_404 = arith.constant 48 : index
    %get3A_405 = tpu.vector_load %arg9[%get3A_403, %get3A_404] {strides = array<i32>} : memref<4x128xf32, #tpu.memory_space<vmem>>, vector<16xf32>,
    %div3A_406 = arith.divf %get3A_401, %get3A_405 : vector<16xf32>
    %swap3A_407 = arith.constant 0 : i32
    %swap3A_408 = arith.index_cast %swap3A_407 : i32 to index
    %swap3A_409 = arith.constant 48 : index
    %swap3A_410 = tpu.vector_load %arg12[%swap3A_408, %swap3A_409] {strides = array<i32>} : memref<4x128xf32, #tpu.memory_space<vmem>>, vector<16xf32>,
    tpu.vector_store %arg12[%swap3A_408, %swap3A_409], %div3A_406 {strides = array<i32>} : memref<4x128xf32, #tpu.memory_space<vmem>>, vector<16xf32>,
    %get3A_411 = arith.constant 0 : i32
    %get3A_412 = arith.index_cast %get3A_411 : i32 to index
    %get3A_413 = arith.constant 64 : index
    %get3A_414 = tpu.vector_load %arg12[%get3A_412, %get3A_413] {strides = array<i32>} : memref<4x128xf32, #tpu.memory_space<vmem>>, vector<16xf32>,
    %get3A_415 = arith.constant 0 : i32
    %get3A_416 = arith.index_cast %get3A_415 : i32 to index
    %get3A_417 = arith.constant 64 : index
    %get3A_418 = tpu.vector_load %arg9[%get3A_416, %get3A_417] {strides = array<i32>} : memref<4x128xf32, #tpu.memory_space<vmem>>, vector<16xf32>,
    %div3A_419 = arith.divf %get3A_414, %get3A_418 : vector<16xf32>
    %swap3A_420 = arith.constant 0 : i32
    %swap3A_421 = arith.index_cast %swap3A_420 : i32 to index
    %swap3A_422 = arith.constant 64 : index
    %swap3A_423 = tpu.vector_load %arg12[%swap3A_421, %swap3A_422] {strides = array<i32>} : memref<4x128xf32, #tpu.memory_space<vmem>>, vector<16xf32>,
    tpu.vector_store %arg12[%swap3A_421, %swap3A_422], %div3A_419 {strides = array<i32>} : memref<4x128xf32, #tpu.memory_space<vmem>>, vector<16xf32>,
    %get3A_424 = arith.constant 0 : i32
    %get3A_425 = arith.index_cast %get3A_424 : i32 to index
    %get3A_426 = arith.constant 80 : index
    %get3A_427 = tpu.vector_load %arg12[%get3A_425, %get3A_426] {strides = array<i32>} : memref<4x128xf32, #tpu.memory_space<vmem>>, vector<16xf32>,
    %get3A_428 = arith.constant 0 : i32
    %get3A_429 = arith.index_cast %get3A_428 : i32 to index
    %get3A_430 = arith.constant 80 : index
    %get3A_431 = tpu.vector_load %arg9[%get3A_429, %get3A_430] {strides = array<i32>} : memref<4x128xf32, #tpu.memory_space<vmem>>, vector<16xf32>,
    %div3A_432 = arith.divf %get3A_427, %get3A_431 : vector<16xf32>
    %swap3A_433 = arith.constant 0 : i32
    %swap3A_434 = arith.index_cast %swap3A_433 : i32 to index
    %swap3A_435 = arith.constant 80 : index
    %swap3A_436 = tpu.vector_load %arg12[%swap3A_434, %swap3A_435] {strides = array<i32>} : memref<4x128xf32, #tpu.memory_space<vmem>>, vector<16xf32>,
    tpu.vector_store %arg12[%swap3A_434, %swap3A_435], %div3A_432 {strides = array<i32>} : memref<4x128xf32, #tpu.memory_space<vmem>>, vector<16xf32>,
    %get3A_437 = arith.constant 0 : i32
    %get3A_438 = arith.index_cast %get3A_437 : i32 to index
    %get3A_439 = arith.constant 96 : index
    %get3A_440 = tpu.vector_load %arg12[%get3A_438, %get3A_439] {strides = array<i32>} : memref<4x128xf32, #tpu.memory_space<vmem>>, vector<16xf32>,
    %get3A_441 = arith.constant 0 : i32
    %get3A_442 = arith.index_cast %get3A_441 : i32 to index
    %get3A_443 = arith.constant 96 : index
    %get3A_444 = tpu.vector_load %arg9[%get3A_442, %get3A_443] {strides = array<i32>} : memref<4x128xf32, #tpu.memory_space<vmem>>, vector<16xf32>,
    %div3A_445 = arith.divf %get3A_440, %get3A_444 : vector<16xf32>
    %swap3A_446 = arith.constant 0 : i32
    %swap3A_447 = arith.index_cast %swap3A_446 : i32 to index
    %swap3A_448 = arith.constant 96 : index
    %swap3A_449 = tpu.vector_load %arg12[%swap3A_447, %swap3A_448] {strides = array<i32>} : memref<4x128xf32, #tpu.memory_space<vmem>>, vector<16xf32>,
    tpu.vector_store %arg12[%swap3A_447, %swap3A_448], %div3A_445 {strides = array<i32>} : memref<4x128xf32, #tpu.memory_space<vmem>>, vector<16xf32>,
    %get3A_450 = arith.constant 0 : i32
    %get3A_451 = arith.index_cast %get3A_450 : i32 to index
    %get3A_452 = arith.constant 112 : index
    %get3A_453 = tpu.vector_load %arg12[%get3A_451, %get3A_452] {strides = array<i32>} : memref<4x128xf32, #tpu.memory_space<vmem>>, vector<16xf32>,
    %get3A_454 = arith.constant 0 : i32
    %get3A_455 = arith.index_cast %get3A_454 : i32 to index
    %get3A_456 = arith.constant 112 : index
    %get3A_457 = tpu.vector_load %arg9[%get3A_455, %get3A_456] {strides = array<i32>} : memref<4x128xf32, #tpu.memory_space<vmem>>, vector<16xf32>,
    %div3A_458 = arith.divf %get3A_453, %get3A_457 : vector<16xf32>
    %swap3A_459 = arith.constant 0 : i32
    %swap3A_460 = arith.index_cast %swap3A_459 : i32 to index
    %swap3A_461 = arith.constant 112 : index
    %swap3A_462 = tpu.vector_load %arg12[%swap3A_460, %swap3A_461] {strides = array<i32>} : memref<4x128xf32, #tpu.memory_space<vmem>>, vector<16xf32>,
    tpu.vector_store %arg12[%swap3A_460, %swap3A_461], %div3A_458 {strides = array<i32>} : memref<4x128xf32, #tpu.memory_space<vmem>>, vector<16xf32>,
    %get3A_463 = arith.constant 1 : i32
    %get3A_464 = arith.index_cast %get3A_463 : i32 to index
    %get3A_465 = arith.constant 0 : index
    %get3A_466 = tpu.vector_load %arg12[%get3A_464, %get3A_465] {strides = array<i32>} : memref<4x128xf32, #tpu.memory_space<vmem>>, vector<16xf32>,
    %get3A_467 = arith.constant 1 : i32
    %get3A_468 = arith.index_cast %get3A_467 : i32 to index
    %get3A_469 = arith.constant 0 : index
    %get3A_470 = tpu.vector_load %arg9[%get3A_468, %get3A_469] {strides = array<i32>} : memref<4x128xf32, #tpu.memory_space<vmem>>, vector<16xf32>,
    %div3A_471 = arith.divf %get3A_466, %get3A_470 : vector<16xf32>
    %swap3A_472 = arith.constant 1 : i32
    %swap3A_473 = arith.index_cast %swap3A_472 : i32 to index
    %swap3A_474 = arith.constant 0 : index
    %swap3A_475 = tpu.vector_load %arg12[%swap3A_473, %swap3A_474] {strides = array<i32>} : memref<4x128xf32, #tpu.memory_space<vmem>>, vector<16xf32>,
    tpu.vector_store %arg12[%swap3A_473, %swap3A_474], %div3A_471 {strides = array<i32>} : memref<4x128xf32, #tpu.memory_space<vmem>>, vector<16xf32>,
    %get3A_476 = arith.constant 1 : i32
    %get3A_477 = arith.index_cast %get3A_476 : i32 to index
    %get3A_478 = arith.constant 16 : index
    %get3A_479 = tpu.vector_load %arg12[%get3A_477, %get3A_478] {strides = array<i32>} : memref<4x128xf32, #tpu.memory_space<vmem>>, vector<16xf32>,
    %get3A_480 = arith.constant 1 : i32
    %get3A_481 = arith.index_cast %get3A_480 : i32 to index
    %get3A_482 = arith.constant 16 : index
    %get3A_483 = tpu.vector_load %arg9[%get3A_481, %get3A_482] {strides = array<i32>} : memref<4x128xf32, #tpu.memory_space<vmem>>, vector<16xf32>,
    %div3A_484 = arith.divf %get3A_479, %get3A_483 : vector<16xf32>
    %swap3A_485 = arith.constant 1 : i32
    %swap3A_486 = arith.index_cast %swap3A_485 : i32 to index
    %swap3A_487 = arith.constant 16 : index
    %swap3A_488 = tpu.vector_load %arg12[%swap3A_486, %swap3A_487] {strides = array<i32>} : memref<4x128xf32, #tpu.memory_space<vmem>>, vector<16xf32>,
    tpu.vector_store %arg12[%swap3A_486, %swap3A_487], %div3A_484 {strides = array<i32>} : memref<4x128xf32, #tpu.memory_space<vmem>>, vector<16xf32>,
    %get3A_489 = arith.constant 1 : i32
    %get3A_490 = arith.index_cast %get3A_489 : i32 to index
    %get3A_491 = arith.constant 32 : index
    %get3A_492 = tpu.vector_load %arg12[%get3A_490, %get3A_491] {strides = array<i32>} : memref<4x128xf32, #tpu.memory_space<vmem>>, vector<16xf32>,
    %get3A_493 = arith.constant 1 : i32
    %get3A_494 = arith.index_cast %get3A_493 : i32 to index
    %get3A_495 = arith.constant 32 : index
    %get3A_496 = tpu.vector_load %arg9[%get3A_494, %get3A_495] {strides = array<i32>} : memref<4x128xf32, #tpu.memory_space<vmem>>, vector<16xf32>,
    %div3A_497 = arith.divf %get3A_492, %get3A_496 : vector<16xf32>
    %swap3A_498 = arith.constant 1 : i32
    %swap3A_499 = arith.index_cast %swap3A_498 : i32 to index
    %swap3A_500 = arith.constant 32 : index
    %swap3A_501 = tpu.vector_load %arg12[%swap3A_499, %swap3A_500] {strides = array<i32>} : memref<4x128xf32, #tpu.memory_space<vmem>>, vector<16xf32>,
    tpu.vector_store %arg12[%swap3A_499, %swap3A_500], %div3A_497 {strides = array<i32>} : memref<4x128xf32, #tpu.memory_space<vmem>>, vector<16xf32>,
    %get3A_502 = arith.constant 1 : i32
    %get3A_503 = arith.index_cast %get3A_502 : i32 to index
    %get3A_504 = arith.constant 48 : index
    %get3A_505 = tpu.vector_load %arg12[%get3A_503, %get3A_504] {strides = array<i32>} : memref<4x128xf32, #tpu.memory_space<vmem>>, vector<16xf32>,
    %get3A_506 = arith.constant 1 : i32
    %get3A_507 = arith.index_cast %get3A_506 : i32 to index
    %get3A_508 = arith.constant 48 : index
    %get3A_509 = tpu.vector_load %arg9[%get3A_507, %get3A_508] {strides = array<i32>} : memref<4x128xf32, #tpu.memory_space<vmem>>, vector<16xf32>,
    %div3A_510 = arith.divf %get3A_505, %get3A_509 : vector<16xf32>
    %swap3A_511 = arith.constant 1 : i32
    %swap3A_512 = arith.index_cast %swap3A_511 : i32 to index
    %swap3A_513 = arith.constant 48 : index
    %swap3A_514 = tpu.vector_load %arg12[%swap3A_512, %swap3A_513] {strides = array<i32>} : memref<4x128xf32, #tpu.memory_space<vmem>>, vector<16xf32>,
    tpu.vector_store %arg12[%swap3A_512, %swap3A_513], %div3A_510 {strides = array<i32>} : memref<4x128xf32, #tpu.memory_space<vmem>>, vector<16xf32>,
    %get3A_515 = arith.constant 1 : i32
    %get3A_516 = arith.index_cast %get3A_515 : i32 to index
    %get3A_517 = arith.constant 64 : index
    %get3A_518 = tpu.vector_load %arg12[%get3A_516, %get3A_517] {strides = array<i32>} : memref<4x128xf32, #tpu.memory_space<vmem>>, vector<16xf32>,
    %get3A_519 = arith.constant 1 : i32
    %get3A_520 = arith.index_cast %get3A_519 : i32 to index
    %get3A_521 = arith.constant 64 : index
    %get3A_522 = tpu.vector_load %arg9[%get3A_520, %get3A_521] {strides = array<i32>} : memref<4x128xf32, #tpu.memory_space<vmem>>, vector<16xf32>,
    %div3A_523 = arith.divf %get3A_518, %get3A_522 : vector<16xf32>
    %swap3A_524 = arith.constant 1 : i32
    %swap3A_525 = arith.index_cast %swap3A_524 : i32 to index
    %swap3A_526 = arith.constant 64 : index
    %swap3A_527 = tpu.vector_load %arg12[%swap3A_525, %swap3A_526] {strides = array<i32>} : memref<4x128xf32, #tpu.memory_space<vmem>>, vector<16xf32>,
    tpu.vector_store %arg12[%swap3A_525, %swap3A_526], %div3A_523 {strides = array<i32>} : memref<4x128xf32, #tpu.memory_space<vmem>>, vector<16xf32>,
    %get3A_528 = arith.constant 1 : i32
    %get3A_529 = arith.index_cast %get3A_528 : i32 to index
    %get3A_530 = arith.constant 80 : index
    %get3A_531 = tpu.vector_load %arg12[%get3A_529, %get3A_530] {strides = array<i32>} : memref<4x128xf32, #tpu.memory_space<vmem>>, vector<16xf32>,
    %get3A_532 = arith.constant 1 : i32
    %get3A_533 = arith.index_cast %get3A_532 : i32 to index
    %get3A_534 = arith.constant 80 : index
    %get3A_535 = tpu.vector_load %arg9[%get3A_533, %get3A_534] {strides = array<i32>} : memref<4x128xf32, #tpu.memory_space<vmem>>, vector<16xf32>,
    %div3A_536 = arith.divf %get3A_531, %get3A_535 : vector<16xf32>
    %swap3A_537 = arith.constant 1 : i32
    %swap3A_538 = arith.index_cast %swap3A_537 : i32 to index
    %swap3A_539 = arith.constant 80 : index
    %swap3A_540 = tpu.vector_load %arg12[%swap3A_538, %swap3A_539] {strides = array<i32>} : memref<4x128xf32, #tpu.memory_space<vmem>>, vector<16xf32>,
    tpu.vector_store %arg12[%swap3A_538, %swap3A_539], %div3A_536 {strides = array<i32>} : memref<4x128xf32, #tpu.memory_space<vmem>>, vector<16xf32>,
    %get3A_541 = arith.constant 1 : i32
    %get3A_542 = arith.index_cast %get3A_541 : i32 to index
    %get3A_543 = arith.constant 96 : index
    %get3A_544 = tpu.vector_load %arg12[%get3A_542, %get3A_543] {strides = array<i32>} : memref<4x128xf32, #tpu.memory_space<vmem>>, vector<16xf32>,
    %get3A_545 = arith.constant 1 : i32
    %get3A_546 = arith.index_cast %get3A_545 : i32 to index
    %get3A_547 = arith.constant 96 : index
    %get3A_548 = tpu.vector_load %arg9[%get3A_546, %get3A_547] {strides = array<i32>} : memref<4x128xf32, #tpu.memory_space<vmem>>, vector<16xf32>,
    %div3A_549 = arith.divf %get3A_544, %get3A_548 : vector<16xf32>
    %swap3A_550 = arith.constant 1 : i32
    %swap3A_551 = arith.index_cast %swap3A_550 : i32 to index
    %swap3A_552 = arith.constant 96 : index
    %swap3A_553 = tpu.vector_load %arg12[%swap3A_551, %swap3A_552] {strides = array<i32>} : memref<4x128xf32, #tpu.memory_space<vmem>>, vector<16xf32>,
    tpu.vector_store %arg12[%swap3A_551, %swap3A_552], %div3A_549 {strides = array<i32>} : memref<4x128xf32, #tpu.memory_space<vmem>>, vector<16xf32>,
    %get3A_554 = arith.constant 1 : i32
    %get3A_555 = arith.index_cast %get3A_554 : i32 to index
    %get3A_556 = arith.constant 112 : index
    %get3A_557 = tpu.vector_load %arg12[%get3A_555, %get3A_556] {strides = array<i32>} : memref<4x128xf32, #tpu.memory_space<vmem>>, vector<16xf32>,
    %get3A_558 = arith.constant 1 : i32
    %get3A_559 = arith.index_cast %get3A_558 : i32 to index
    %get3A_560 = arith.constant 112 : index
    %get3A_561 = tpu.vector_load %arg9[%get3A_559, %get3A_560] {strides = array<i32>} : memref<4x128xf32, #tpu.memory_space<vmem>>, vector<16xf32>,
    %div3A_562 = arith.divf %get3A_557, %get3A_561 : vector<16xf32>
    %swap3A_563 = arith.constant 1 : i32
    %swap3A_564 = arith.index_cast %swap3A_563 : i32 to index
    %swap3A_565 = arith.constant 112 : index
    %swap3A_566 = tpu.vector_load %arg12[%swap3A_564, %swap3A_565] {strides = array<i32>} : memref<4x128xf32, #tpu.memory_space<vmem>>, vector<16xf32>,
    tpu.vector_store %arg12[%swap3A_564, %swap3A_565], %div3A_562 {strides = array<i32>} : memref<4x128xf32, #tpu.memory_space<vmem>>, vector<16xf32>,
    %get3A_567 = arith.constant 2 : i32
    %get3A_568 = arith.index_cast %get3A_567 : i32 to index
    %get3A_569 = arith.constant 0 : index
    %get3A_570 = tpu.vector_load %arg12[%get3A_568, %get3A_569] {strides = array<i32>} : memref<4x128xf32, #tpu.memory_space<vmem>>, vector<16xf32>,
    %get3A_571 = arith.constant 2 : i32
    %get3A_572 = arith.index_cast %get3A_571 : i32 to index
    %get3A_573 = arith.constant 0 : index
    %get3A_574 = tpu.vector_load %arg9[%get3A_572, %get3A_573] {strides = array<i32>} : memref<4x128xf32, #tpu.memory_space<vmem>>, vector<16xf32>,
    %div3A_575 = arith.divf %get3A_570, %get3A_574 : vector<16xf32>
    %swap3A_576 = arith.constant 2 : i32
    %swap3A_577 = arith.index_cast %swap3A_576 : i32 to index
    %swap3A_578 = arith.constant 0 : index
    %swap3A_579 = tpu.vector_load %arg12[%swap3A_577, %swap3A_578] {strides = array<i32>} : memref<4x128xf32, #tpu.memory_space<vmem>>, vector<16xf32>,
    tpu.vector_store %arg12[%swap3A_577, %swap3A_578], %div3A_575 {strides = array<i32>} : memref<4x128xf32, #tpu.memory_space<vmem>>, vector<16xf32>,
    %get3A_580 = arith.constant 2 : i32
    %get3A_581 = arith.index_cast %get3A_580 : i32 to index
    %get3A_582 = arith.constant 16 : index
    %get3A_583 = tpu.vector_load %arg12[%get3A_581, %get3A_582] {strides = array<i32>} : memref<4x128xf32, #tpu.memory_space<vmem>>, vector<16xf32>,
    %get3A_584 = arith.constant 2 : i32
    %get3A_585 = arith.index_cast %get3A_584 : i32 to index
    %get3A_586 = arith.constant 16 : index
    %get3A_587 = tpu.vector_load %arg9[%get3A_585, %get3A_586] {strides = array<i32>} : memref<4x128xf32, #tpu.memory_space<vmem>>, vector<16xf32>,
    %div3A_588 = arith.divf %get3A_583, %get3A_587 : vector<16xf32>
    %swap3A_589 = arith.constant 2 : i32
    %swap3A_590 = arith.index_cast %swap3A_589 : i32 to index
    %swap3A_591 = arith.constant 16 : index
    %swap3A_592 = tpu.vector_load %arg12[%swap3A_590, %swap3A_591] {strides = array<i32>} : memref<4x128xf32, #tpu.memory_space<vmem>>, vector<16xf32>,
    tpu.vector_store %arg12[%swap3A_590, %swap3A_591], %div3A_588 {strides = array<i32>} : memref<4x128xf32, #tpu.memory_space<vmem>>, vector<16xf32>,
    %get3A_593 = arith.constant 2 : i32
    %get3A_594 = arith.index_cast %get3A_593 : i32 to index
    %get3A_595 = arith.constant 32 : index
    %get3A_596 = tpu.vector_load %arg12[%get3A_594, %get3A_595] {strides = array<i32>} : memref<4x128xf32, #tpu.memory_space<vmem>>, vector<16xf32>,
    %get3A_597 = arith.constant 2 : i32
    %get3A_598 = arith.index_cast %get3A_597 : i32 to index
    %get3A_599 = arith.constant 32 : index
    %get3A_600 = tpu.vector_load %arg9[%get3A_598, %get3A_599] {strides = array<i32>} : memref<4x128xf32, #tpu.memory_space<vmem>>, vector<16xf32>,
    %div3A_601 = arith.divf %get3A_596, %get3A_600 : vector<16xf32>
    %swap3A_602 = arith.constant 2 : i32
    %swap3A_603 = arith.index_cast %swap3A_602 : i32 to index
    %swap3A_604 = arith.constant 32 : index
    %swap3A_605 = tpu.vector_load %arg12[%swap3A_603, %swap3A_604] {strides = array<i32>} : memref<4x128xf32, #tpu.memory_space<vmem>>, vector<16xf32>,
    tpu.vector_store %arg12[%swap3A_603, %swap3A_604], %div3A_601 {strides = array<i32>} : memref<4x128xf32, #tpu.memory_space<vmem>>, vector<16xf32>,
    %get3A_606 = arith.constant 2 : i32
    %get3A_607 = arith.index_cast %get3A_606 : i32 to index
    %get3A_608 = arith.constant 48 : index
    %get3A_609 = tpu.vector_load %arg12[%get3A_607, %get3A_608] {strides = array<i32>} : memref<4x128xf32, #tpu.memory_space<vmem>>, vector<16xf32>,
    %get3A_610 = arith.constant 2 : i32
    %get3A_611 = arith.index_cast %get3A_610 : i32 to index
    %get3A_612 = arith.constant 48 : index
    %get3A_613 = tpu.vector_load %arg9[%get3A_611, %get3A_612] {strides = array<i32>} : memref<4x128xf32, #tpu.memory_space<vmem>>, vector<16xf32>,
    %div3A_614 = arith.divf %get3A_609, %get3A_613 : vector<16xf32>
    %swap3A_615 = arith.constant 2 : i32
    %swap3A_616 = arith.index_cast %swap3A_615 : i32 to index
    %swap3A_617 = arith.constant 48 : index
    %swap3A_618 = tpu.vector_load %arg12[%swap3A_616, %swap3A_617] {strides = array<i32>} : memref<4x128xf32, #tpu.memory_space<vmem>>, vector<16xf32>,
    tpu.vector_store %arg12[%swap3A_616, %swap3A_617], %div3A_614 {strides = array<i32>} : memref<4x128xf32, #tpu.memory_space<vmem>>, vector<16xf32>,
    %get3A_619 = arith.constant 2 : i32
    %get3A_620 = arith.index_cast %get3A_619 : i32 to index
    %get3A_621 = arith.constant 64 : index
    %get3A_622 = tpu.vector_load %arg12[%get3A_620, %get3A_621] {strides = array<i32>} : memref<4x128xf32, #tpu.memory_space<vmem>>, vector<16xf32>,
    %get3A_623 = arith.constant 2 : i32
    %get3A_624 = arith.index_cast %get3A_623 : i32 to index
    %get3A_625 = arith.constant 64 : index
    %get3A_626 = tpu.vector_load %arg9[%get3A_624, %get3A_625] {strides = array<i32>} : memref<4x128xf32, #tpu.memory_space<vmem>>, vector<16xf32>,
    %div3A_627 = arith.divf %get3A_622, %get3A_626 : vector<16xf32>
    %swap3A_628 = arith.constant 2 : i32
    %swap3A_629 = arith.index_cast %swap3A_628 : i32 to index
    %swap3A_630 = arith.constant 64 : index
    %swap3A_631 = tpu.vector_load %arg12[%swap3A_629, %swap3A_630] {strides = array<i32>} : memref<4x128xf32, #tpu.memory_space<vmem>>, vector<16xf32>,
    tpu.vector_store %arg12[%swap3A_629, %swap3A_630], %div3A_627 {strides = array<i32>} : memref<4x128xf32, #tpu.memory_space<vmem>>, vector<16xf32>,
    %get3A_632 = arith.constant 2 : i32
    %get3A_633 = arith.index_cast %get3A_632 : i32 to index
    %get3A_634 = arith.constant 80 : index
    %get3A_635 = tpu.vector_load %arg12[%get3A_633, %get3A_634] {strides = array<i32>} : memref<4x128xf32, #tpu.memory_space<vmem>>, vector<16xf32>,
    %get3A_636 = arith.constant 2 : i32
    %get3A_637 = arith.index_cast %get3A_636 : i32 to index
    %get3A_638 = arith.constant 80 : index
    %get3A_639 = tpu.vector_load %arg9[%get3A_637, %get3A_638] {strides = array<i32>} : memref<4x128xf32, #tpu.memory_space<vmem>>, vector<16xf32>,
    %div3A_640 = arith.divf %get3A_635, %get3A_639 : vector<16xf32>
    %swap3A_641 = arith.constant 2 : i32
    %swap3A_642 = arith.index_cast %swap3A_641 : i32 to index
    %swap3A_643 = arith.constant 80 : index
    %swap3A_644 = tpu.vector_load %arg12[%swap3A_642, %swap3A_643] {strides = array<i32>} : memref<4x128xf32, #tpu.memory_space<vmem>>, vector<16xf32>,
    tpu.vector_store %arg12[%swap3A_642, %swap3A_643], %div3A_640 {strides = array<i32>} : memref<4x128xf32, #tpu.memory_space<vmem>>, vector<16xf32>,
    %get3A_645 = arith.constant 2 : i32
    %get3A_646 = arith.index_cast %get3A_645 : i32 to index
    %get3A_647 = arith.constant 96 : index
    %get3A_648 = tpu.vector_load %arg12[%get3A_646, %get3A_647] {strides = array<i32>} : memref<4x128xf32, #tpu.memory_space<vmem>>, vector<16xf32>,
    %get3A_649 = arith.constant 2 : i32
    %get3A_650 = arith.index_cast %get3A_649 : i32 to index
    %get3A_651 = arith.constant 96 : index
    %get3A_652 = tpu.vector_load %arg9[%get3A_650, %get3A_651] {strides = array<i32>} : memref<4x128xf32, #tpu.memory_space<vmem>>, vector<16xf32>,
    %div3A_653 = arith.divf %get3A_648, %get3A_652 : vector<16xf32>
    %swap3A_654 = arith.constant 2 : i32
    %swap3A_655 = arith.index_cast %swap3A_654 : i32 to index
    %swap3A_656 = arith.constant 96 : index
    %swap3A_657 = tpu.vector_load %arg12[%swap3A_655, %swap3A_656] {strides = array<i32>} : memref<4x128xf32, #tpu.memory_space<vmem>>, vector<16xf32>,
    tpu.vector_store %arg12[%swap3A_655, %swap3A_656], %div3A_653 {strides = array<i32>} : memref<4x128xf32, #tpu.memory_space<vmem>>, vector<16xf32>,
    %get3A_658 = arith.constant 2 : i32
    %get3A_659 = arith.index_cast %get3A_658 : i32 to index
    %get3A_660 = arith.constant 112 : index
    %get3A_661 = tpu.vector_load %arg12[%get3A_659, %get3A_660] {strides = array<i32>} : memref<4x128xf32, #tpu.memory_space<vmem>>, vector<16xf32>,
    %get3A_662 = arith.constant 2 : i32
    %get3A_663 = arith.index_cast %get3A_662 : i32 to index
    %get3A_664 = arith.constant 112 : index
    %get3A_665 = tpu.vector_load %arg9[%get3A_663, %get3A_664] {strides = array<i32>} : memref<4x128xf32, #tpu.memory_space<vmem>>, vector<16xf32>,
    %div3A_666 = arith.divf %get3A_661, %get3A_665 : vector<16xf32>
    %swap3A_667 = arith.constant 2 : i32
    %swap3A_668 = arith.index_cast %swap3A_667 : i32 to index
    %swap3A_669 = arith.constant 112 : index
    %swap3A_670 = tpu.vector_load %arg12[%swap3A_668, %swap3A_669] {strides = array<i32>} : memref<4x128xf32, #tpu.memory_space<vmem>>, vector<16xf32>,
    tpu.vector_store %arg12[%swap3A_668, %swap3A_669], %div3A_666 {strides = array<i32>} : memref<4x128xf32, #tpu.memory_space<vmem>>, vector<16xf32>,
    %get3A_671 = arith.constant 3 : i32
    %get3A_672 = arith.index_cast %get3A_671 : i32 to index
    %get3A_673 = arith.constant 0 : index
    %get3A_674 = tpu.vector_load %arg12[%get3A_672, %get3A_673] {strides = array<i32>} : memref<4x128xf32, #tpu.memory_space<vmem>>, vector<16xf32>,
    %get3A_675 = arith.constant 3 : i32
    %get3A_676 = arith.index_cast %get3A_675 : i32 to index
    %get3A_677 = arith.constant 0 : index
    %get3A_678 = tpu.vector_load %arg9[%get3A_676, %get3A_677] {strides = array<i32>} : memref<4x128xf32, #tpu.memory_space<vmem>>, vector<16xf32>,
    %div3A_679 = arith.divf %get3A_674, %get3A_678 : vector<16xf32>
    %swap3A_680 = arith.constant 3 : i32
    %swap3A_681 = arith.index_cast %swap3A_680 : i32 to index
    %swap3A_682 = arith.constant 0 : index
    %swap3A_683 = tpu.vector_load %arg12[%swap3A_681, %swap3A_682] {strides = array<i32>} : memref<4x128xf32, #tpu.memory_space<vmem>>, vector<16xf32>,
    tpu.vector_store %arg12[%swap3A_681, %swap3A_682], %div3A_679 {strides = array<i32>} : memref<4x128xf32, #tpu.memory_space<vmem>>, vector<16xf32>,
    %get3A_684 = arith.constant 3 : i32
    %get3A_685 = arith.index_cast %get3A_684 : i32 to index
    %get3A_686 = arith.constant 16 : index
    %get3A_687 = tpu.vector_load %arg12[%get3A_685, %get3A_686] {strides = array<i32>} : memref<4x128xf32, #tpu.memory_space<vmem>>, vector<16xf32>,
    %get3A_688 = arith.constant 3 : i32
    %get3A_689 = arith.index_cast %get3A_688 : i32 to index
    %get3A_690 = arith.constant 16 : index
    %get3A_691 = tpu.vector_load %arg9[%get3A_689, %get3A_690] {strides = array<i32>} : memref<4x128xf32, #tpu.memory_space<vmem>>, vector<16xf32>,
    %div3A_692 = arith.divf %get3A_687, %get3A_691 : vector<16xf32>
    %swap3A_693 = arith.constant 3 : i32
    %swap3A_694 = arith.index_cast %swap3A_693 : i32 to index
    %swap3A_695 = arith.constant 16 : index
    %swap3A_696 = tpu.vector_load %arg12[%swap3A_694, %swap3A_695] {strides = array<i32>} : memref<4x128xf32, #tpu.memory_space<vmem>>, vector<16xf32>,
    tpu.vector_store %arg12[%swap3A_694, %swap3A_695], %div3A_692 {strides = array<i32>} : memref<4x128xf32, #tpu.memory_space<vmem>>, vector<16xf32>,
    %get3A_697 = arith.constant 3 : i32
    %get3A_698 = arith.index_cast %get3A_697 : i32 to index
    %get3A_699 = arith.constant 32 : index
    %get3A_700 = tpu.vector_load %arg12[%get3A_698, %get3A_699] {strides = array<i32>} : memref<4x128xf32, #tpu.memory_space<vmem>>, vector<16xf32>,
    %get3A_701 = arith.constant 3 : i32
    %get3A_702 = arith.index_cast %get3A_701 : i32 to index
    %get3A_703 = arith.constant 32 : index
    %get3A_704 = tpu.vector_load %arg9[%get3A_702, %get3A_703] {strides = array<i32>} : memref<4x128xf32, #tpu.memory_space<vmem>>, vector<16xf32>,
    %div3A_705 = arith.divf %get3A_700, %get3A_704 : vector<16xf32>
    %swap3A_706 = arith.constant 3 : i32
    %swap3A_707 = arith.index_cast %swap3A_706 : i32 to index
    %swap3A_708 = arith.constant 32 : index
    %swap3A_709 = tpu.vector_load %arg12[%swap3A_707, %swap3A_708] {strides = array<i32>} : memref<4x128xf32, #tpu.memory_space<vmem>>, vector<16xf32>,
    tpu.vector_store %arg12[%swap3A_707, %swap3A_708], %div3A_705 {strides = array<i32>} : memref<4x128xf32, #tpu.memory_space<vmem>>, vector<16xf32>,
    %get3A_710 = arith.constant 3 : i32
    %get3A_711 = arith.index_cast %get3A_710 : i32 to index
    %get3A_712 = arith.constant 48 : index
    %get3A_713 = tpu.vector_load %arg12[%get3A_711, %get3A_712] {strides = array<i32>} : memref<4x128xf32, #tpu.memory_space<vmem>>, vector<16xf32>,
    %get3A_714 = arith.constant 3 : i32
    %get3A_715 = arith.index_cast %get3A_714 : i32 to index
    %get3A_716 = arith.constant 48 : index
    %get3A_717 = tpu.vector_load %arg9[%get3A_715, %get3A_716] {strides = array<i32>} : memref<4x128xf32, #tpu.memory_space<vmem>>, vector<16xf32>,
    %div3A_718 = arith.divf %get3A_713, %get3A_717 : vector<16xf32>
    %swap3A_719 = arith.constant 3 : i32
    %swap3A_720 = arith.index_cast %swap3A_719 : i32 to index
    %swap3A_721 = arith.constant 48 : index
    %swap3A_722 = tpu.vector_load %arg12[%swap3A_720, %swap3A_721] {strides = array<i32>} : memref<4x128xf32, #tpu.memory_space<vmem>>, vector<16xf32>,
    tpu.vector_store %arg12[%swap3A_720, %swap3A_721], %div3A_718 {strides = array<i32>} : memref<4x128xf32, #tpu.memory_space<vmem>>, vector<16xf32>,
    %get3A_723 = arith.constant 3 : i32
    %get3A_724 = arith.index_cast %get3A_723 : i32 to index
    %get3A_725 = arith.constant 64 : index
    %get3A_726 = tpu.vector_load %arg12[%get3A_724, %get3A_725] {strides = array<i32>} : memref<4x128xf32, #tpu.memory_space<vmem>>, vector<16xf32>,
    %get3A_727 = arith.constant 3 : i32
    %get3A_728 = arith.index_cast %get3A_727 : i32 to index
    %get3A_729 = arith.constant 64 : index
    %get3A_730 = tpu.vector_load %arg9[%get3A_728, %get3A_729] {strides = array<i32>} : memref<4x128xf32, #tpu.memory_space<vmem>>, vector<16xf32>,
    %div3A_731 = arith.divf %get3A_726, %get3A_730 : vector<16xf32>
    %swap3A_732 = arith.constant 3 : i32
    %swap3A_733 = arith.index_cast %swap3A_732 : i32 to index
    %swap3A_734 = arith.constant 64 : index
    %swap3A_735 = tpu.vector_load %arg12[%swap3A_733, %swap3A_734] {strides = array<i32>} : memref<4x128xf32, #tpu.memory_space<vmem>>, vector<16xf32>,
    tpu.vector_store %arg12[%swap3A_733, %swap3A_734], %div3A_731 {strides = array<i32>} : memref<4x128xf32, #tpu.memory_space<vmem>>, vector<16xf32>,
    %get3A_736 = arith.constant 3 : i32
    %get3A_737 = arith.index_cast %get3A_736 : i32 to index
    %get3A_738 = arith.constant 80 : index
    %get3A_739 = tpu.vector_load %arg12[%get3A_737, %get3A_738] {strides = array<i32>} : memref<4x128xf32, #tpu.memory_space<vmem>>, vector<16xf32>,
    %get3A_740 = arith.constant 3 : i32
    %get3A_741 = arith.index_cast %get3A_740 : i32 to index
    %get3A_742 = arith.constant 80 : index
    %get3A_743 = tpu.vector_load %arg9[%get3A_741, %get3A_742] {strides = array<i32>} : memref<4x128xf32, #tpu.memory_space<vmem>>, vector<16xf32>,
    %div3A_744 = arith.divf %get3A_739, %get3A_743 : vector<16xf32>
    %swap3A_745 = arith.constant 3 : i32
    %swap3A_746 = arith.index_cast %swap3A_745 : i32 to index
    %swap3A_747 = arith.constant 80 : index
    %swap3A_748 = tpu.vector_load %arg12[%swap3A_746, %swap3A_747] {strides = array<i32>} : memref<4x128xf32, #tpu.memory_space<vmem>>, vector<16xf32>,
    tpu.vector_store %arg12[%swap3A_746, %swap3A_747], %div3A_744 {strides = array<i32>} : memref<4x128xf32, #tpu.memory_space<vmem>>, vector<16xf32>,
    %get3A_749 = arith.constant 3 : i32
    %get3A_750 = arith.index_cast %get3A_749 : i32 to index
    %get3A_751 = arith.constant 96 : index
    %get3A_752 = tpu.vector_load %arg12[%get3A_750, %get3A_751] {strides = array<i32>} : memref<4x128xf32, #tpu.memory_space<vmem>>, vector<16xf32>,
    %get3A_753 = arith.constant 3 : i32
    %get3A_754 = arith.index_cast %get3A_753 : i32 to index
    %get3A_755 = arith.constant 96 : index
    %get3A_756 = tpu.vector_load %arg9[%get3A_754, %get3A_755] {strides = array<i32>} : memref<4x128xf32, #tpu.memory_space<vmem>>, vector<16xf32>,
    %div3A_757 = arith.divf %get3A_752, %get3A_756 : vector<16xf32>
    %swap3A_758 = arith.constant 3 : i32
    %swap3A_759 = arith.index_cast %swap3A_758 : i32 to index
    %swap3A_760 = arith.constant 96 : index
    %swap3A_761 = tpu.vector_load %arg12[%swap3A_759, %swap3A_760] {strides = array<i32>} : memref<4x128xf32, #tpu.memory_space<vmem>>, vector<16xf32>,
    tpu.vector_store %arg12[%swap3A_759, %swap3A_760], %div3A_757 {strides = array<i32>} : memref<4x128xf32, #tpu.memory_space<vmem>>, vector<16xf32>,
    %get3A_762 = arith.constant 3 : i32
    %get3A_763 = arith.index_cast %get3A_762 : i32 to index
    %get3A_764 = arith.constant 112 : index
    %get3A_765 = tpu.vector_load %arg12[%get3A_763, %get3A_764] {strides = array<i32>} : memref<4x128xf32, #tpu.memory_space<vmem>>, vector<16xf32>,
    %get3A_766 = arith.constant 3 : i32
    %get3A_767 = arith.index_cast %get3A_766 : i32 to index
    %get3A_768 = arith.constant 112 : index
    %get3A_769 = tpu.vector_load %arg9[%get3A_767, %get3A_768] {strides = array<i32>} : memref<4x128xf32, #tpu.memory_space<vmem>>, vector<16xf32>,
    %div3A_770 = arith.divf %get3A_765, %get3A_769 : vector<16xf32>
    %swap3A_771 = arith.constant 3 : i32
    %swap3A_772 = arith.index_cast %swap3A_771 : i32 to index
    %swap3A_773 = arith.constant 112 : index
    %swap3A_774 = tpu.vector_load %arg12[%swap3A_772, %swap3A_773] {strides = array<i32>} : memref<4x128xf32, #tpu.memory_space<vmem>>, vector<16xf32>,
    tpu.vector_store %arg12[%swap3A_772, %swap3A_773], %div3A_770 {strides = array<i32>} : memref<4x128xf32, #tpu.memory_space<vmem>>, vector<16xf32>,
    %mul3A_775 = arith.constant 4 : i32
    %mul3A_776 = arith.muli %add3A, %mul3A_775 : i32
    "tpu.region"() ({
      %run_scoped3A = tpu.sem_alloc : memref<!tpu.dma_semaphore, #tpu.memory_space<semaphore_mem>>
      %dma_start3A_777 = arith.constant 0 : i32
      %dma_start3A_778 = tpu.memref_slice %arg5[%mul3A_776, %dma_start3A_777] : memref<128x128xf32, #tpu.memory_space<hbm>> -> memref<4x128xf32, #tpu.memory_space<hbm>>
      %dma_start3A_779 = arith.constant 0 : i32
      %dma_start3A_780 = tpu.memref_slice %arg5[%mul3A_776, %dma_start3A_779] : memref<128x128xf32, #tpu.memory_space<hbm>> -> memref<4x128xf32, #tpu.memory_space<hbm>>
      tpu.enqueue_dma source(%arg12 : memref<4x128xf32, #tpu.memory_space<vmem>>) target(%dma_start3A_780 : memref<4x128xf32, #tpu.memory_space<hbm>>) target_semaphore(%run_scoped3A : memref<!tpu.dma_semaphore, #tpu.memory_space<semaphore_mem>>)
      %dma_wait3A_781 = arith.constant 0 : i32
      %dma_wait3A_782 = tpu.memref_slice %arg5[%mul3A_776, %dma_wait3A_781] : memref<128x128xf32, #tpu.memory_space<hbm>> -> memref<4x128xf32, #tpu.memory_space<hbm>>
      %dma_wait3A_783 = arith.constant 0 : i32
      %dma_wait3A_784 = tpu.memref_slice %arg5[%mul3A_776, %dma_wait3A_783] : memref<128x128xf32, #tpu.memory_space<hbm>> -> memref<4x128xf32, #tpu.memory_space<hbm>>
      tpu.wait_dma2 semaphore(%run_scoped3A : memref<!tpu.dma_semaphore, #tpu.memory_space<semaphore_mem>>) src(%arg12 : memref<4x128xf32, #tpu.memory_space<vmem>>) dst(%dma_wait3A_784 : memref<4x128xf32, #tpu.memory_space<hbm>>)
      tpu.yield
    }) : () -> ()
    return
  }
}

</mosaic_0001>

<sc_bundles>
// kernel: _sc_part.3.cloned.1.call-start
scs
__scs_entry_jumppad:
0x0: {  	(pc) =	sbr.rel $0x88, $3  }
0x1: {  	(tag) =	ssettag $0x0;
	lr =	simm.s32 $0x1  }
0x2: {  	[smem:$0x3F9E] =	sst lr;
	_ =	strace $0xD0000000  }
0x3: {  	_ = 	snop  }
0x4: {  	_ = 	snop  }
0x5: {  	_ = 	snop  }
0x6: {  	_ = 	snop  }
0x7: {  	_ = 	snop  }
__scs_overlays_trampoline_lowered:
0x8: {  	[smem:$0x3FAD] =	sst s0  }
0x9: {  	[smem:$0x3FAE] =	sst s1  }
0xa: {  	[smem:$0x3FAF] =	sst s2  }
0xb: {  	[smem:$0x3FB0] =	sst s3  }
0xc: {  	[smem:$0x3FB1] =	sst s4  }
0xd: {  	[smem:$0x3FB2] =	sst s5  }
0xe: {  	[smem:$0x3FB3] =	sst s6  }
0xf: {  	[smem:$0x3FB4] =	sst s7  }
0x10: {  	[smem:$0x3FB5] =	sst s8  }
0x11: {  	[smem:$0x3FB6] =	sst s9;
	s0 =	simm.s32 @!p0 $0x0  }
0x12: {  	s1 =	sld [smem:$0x3F9C];
	s0 =	simm.s32 @p0 $0x1  }
0x13: {  	[smem:$0x3FB7] =	sst s0;
	s0 =	simm.s32 @!p1 $0x0  }
0x14: {  	s2 =	sld [smem:$0x3F9B];
	s0 =	simm.s32 @p1 $0x1  }
0x15: {  	[smem:$0x3FB8] =	sst s0;
	s0 =	simm.s32 @!p2 $0x0  }
0x16: {  	s3 =	sld [smem:$0x3FDB];
	s0 =	simm.s32 @p2 $0x1  }
0x17: {  	s4 =	simm.s32 $0x1BF5;
	[smem:$0x3FBA] =	sst s0  }
0x18: {  	s0 =	sld [smem:$0x3F9D];
	_ =	swait.ge [sflag:s4], $0x0  }
0x19: {  	s7 =	sld [smem:$0x3F9E]  }
0x1a: {  	s8 =	sadd.s32 $0xFFFFE003, lr  }
0x1b: {  	s9 =	sadd.s32 $0xFFFFFEF7, lr;
	s5 =	simm.s32 $0xFFFFFFFF;
	p2 =	slt.u32 s8, $0xFFFFF086  }
0x1c: {  	p1 =	slt.u32 s9, $0xF7A;
	s5 =	simm.s32 @!p2 $0x0  }
0x1d: {  	s5 =	simm.s32 @p1 $0x1;
	p0 =	seq.s32 s7, s2  }
0x1e: {  	s7 =	smul.u32 @!p0 $0xF7A, s2;
	p2 =	seq.s32 @!p0 s5, $0x0  }
0x1f: {  	s9 =	smul.u32 $0xF7A, s1;
	s8 =	simm.s32 @!p0 $0x1BF5;
	p2 =	por !p2, p0  }
0x20: {  	[sflag:s8] =	ssyncset.s32 @!p0 $0xFFFFF086;
	s6 =	sadd.s32 @!p0 s3, s7;
	s7 =	simm.s32 @!p0 $0x108  }
0x21: {  	s3 =	sadd.s32 s3, s9;
	s6 =	sadd.s32 @!p0 $0x88, s6;
	s7 =	simm.s32 @p2 $0x1082  }
0x22: {  	[simem:s7], [sflag:s8] =	dma.local @!p0 [hbm:s6], $0xF7A  }
0x23: {  	s9 =	sor.u32 $0xD0000000, s2;
	s6 =	simm.s32 $0x108;
	_ =	swait.ge @!p0 [sflag:s8], $0x0  }
0x24: {  	s3 =	sadd.s32 $0x88, s3;
	s6 =	simm.s32 @!p1 $0x1082;
	[sflag:s4] =	ssyncset.s32 $0xFFFFF086  }
0x25: {  	[simem:s6], [sflag:s4] =	dma.local [hbm:s3], $0xF7A  }
0x26: {  	[smem:$0x3F9E] =	sst s1;
	(tag) =	ssettag s2;
	_ =	strace s9  }
0x27: {  	s1 =	sld [smem:$0x3FAE]  }
0x28: {  	s2 =	sld [smem:$0x3FAF]  }
0x29: {  	s4 =	sld [smem:$0x3FB1]  }
0x2a: {  	p0 =	seq.s32 s5, $0x0;
	s5 =	sld [smem:$0x3FB2]  }
0x2b: {  	s6 =	sld [smem:$0x3FB3]  }
0x2c: {  	s7 =	sld [smem:$0x3FB4]  }
0x2d: {  	s3 =	simm.s32 $0x108;
	s8 =	sld [smem:$0x3FB5]  }
0x2e: {  	s3 =	simm.s32 @!p0 $0x1082;
	s9 =	sld [smem:$0x3FB6]  }
0x2f: {  	lr =	sadd.s32 s0, s3;
	s0 =	sld [smem:$0x3FAD]  }
0x30: {  	s3 =	sld [smem:$0x3FB0]  }
0x31: {  	[smem:$0x3FB9] =	sst s10  }
0x32: {  	s10 =	sld [smem:$0x3FB7];
	_ =	sdelay $0x3  }
0x33: {  	p0 =	seq.s32 s10, $0x1;
	s10 =	sld [smem:$0x3FB9];
	_ =	sdelay $0x3  }
0x34: {  	[smem:$0x3FB9] =	sst s10  }
0x35: {  	s10 =	sld [smem:$0x3FB8];
	_ =	sdelay $0x3  }
0x36: {  	p1 =	seq.s32 s10, $0x1;
	s10 =	sld [smem:$0x3FB9];
	_ =	sdelay $0x3  }
0x37: {  	[smem:$0x3FB9] =	sst s10  }
0x38: {  	s10 =	sld [smem:$0x3FBA]  }
0x39: {  	_ = 	snop;
	(pc) =	sbr.ind lr, $3  }
0x3a: {  	_ = 	snop  }
0x3b: {  	_ = 	snop  }
0x3c: {  	p2 =	seq.s32 s10, $0x1;
	s10 =	sld [smem:$0x3FB9]  }
0x3d: {  	_ =	shalt  }
0x3e: {  	_ =	shalt  }
0x3f: {  	_ =	shalt  }
0x40: {  	_ =	shalt  }
0x41: {  	_ =	shalt  }
0x42: {  	_ =	shalt  }
0x43: {  	_ =	shalt  }
0x44: {  	_ =	shalt  }
0x45: {  	_ =	shalt  }
0x46: {  	_ =	shalt  }
0x47: {  	_ =	shalt  }
0x48: {  	_ =	shalt  }
0x49: {  	_ =	shalt  }
0x4a: {  	_ =	shalt  }
0x4b: {  	_ =	shalt  }
0x4c: {  	_ =	shalt  }
0x4d: {  	_ =	shalt  }
0x4e: {  	_ =	shalt  }
0x4f: {  	_ =	shalt  }
0x50: {  	_ =	shalt  }
0x51: {  	_ =	shalt  }
0x52: {  	_ =	shalt  }
0x53: {  	_ =	shalt  }
0x54: {  	_ =	shalt  }
0x55: {  	_ =	shalt  }
0x56: {  	_ =	shalt  }
0x57: {  	_ =	shalt  }
0x58: {  	_ =	shalt  }
0x59: {  	_ =	shalt  }
0x5a: {  	_ =	shalt  }
0x5b: {  	_ =	shalt  }
0x5c: {  	_ =	shalt  }
0x5d: {  	_ =	shalt  }
0x5e: {  	_ =	shalt  }
0x5f: {  	_ =	shalt  }
0x60: {  	_ =	shalt  }
0x61: {  	_ =	shalt  }
0x62: {  	_ =	shalt  }
0x63: {  	_ =	shalt  }
0x64: {  	_ =	shalt  }
0x65: {  	_ =	shalt  }
0x66: {  	_ =	shalt  }
0x67: {  	_ =	shalt  }
0x68: {  	_ =	shalt  }
0x69: {  	_ =	shalt  }
0x6a: {  	_ =	shalt  }
0x6b: {  	_ =	shalt  }
0x6c: {  	_ =	shalt  }
0x6d: {  	_ =	shalt  }
0x6e: {  	_ =	shalt  }
0x6f: {  	_ =	shalt  }
0x70: {  	_ =	shalt  }
0x71: {  	_ =	shalt  }
0x72: {  	_ =	shalt  }
0x73: {  	_ =	shalt  }
0x74: {  	_ =	shalt  }
0x75: {  	_ =	shalt  }
0x76: {  	_ =	shalt  }
0x77: {  	_ =	shalt  }
0x78: {  	_ =	shalt  }
0x79: {  	_ =	shalt  }
0x7a: {  	_ =	shalt  }
0x7b: {  	_ =	shalt  }
0x7c: {  	_ =	shalt  }
0x7d: {  	_ =	shalt  }
0x7e: {  	_ =	shalt  }
0x7f: {  	_ =	shalt  }
0x80: {  	_ =	shalt  }
0x81: {  	_ =	shalt  }
0x82: {  	_ =	shalt  }
0x83: {  	_ =	shalt  }
0x84: {  	_ =	shalt  }
0x85: {  	_ =	shalt  }
0x86: {  	_ =	shalt  }
0x87: {  	_ =	shalt  }
.Lfunc_end0:
.L_simem_size_0:
called_computation_lowered:
.L_overlay_start_0:
0x88: {  	s2 =	sld [smem:$0x3FD9]  }
0x89: {  	s3 =	sld [smem:$0x3FFE];
	_ =	sdelay $0x1  }
0x8a: {  	s1 =	srdreg.scid  }
0x8b: {  	s0 =	sand.u32 $0x1, s1  }
0x8c: {  	s18 =	sshll.u32 s0, $0xA;
	s2 =	sadd.s32 s3, s2  }
0x8d: {  	s2 =	sadd.s32 s2, s18  }
0x8e: {  	[smem:$0x3FC5] =	sst s2  }
0x8f: {  	_ = 	snop  }
0x90: {  	s2 =	sld [smem:$0x3FC9]  }
0x91: {  	s19 =	sld [smem:$0x3FC8]  }
0x92: {  	s4 =	sld [smem:$0x3FC7]  }
0x93: {  	s5 =	sld [smem:$0x3FD0];
	(tm) =	ssettm $0x1  }
0x94: {  	s6 =	sld [smem:$0x3FFB];
	_ =	sdelay $0x3  }
0x95: {  	_ =	strace s6  }
0x96: {  	s6 =	sld [smem:$0x3FFC];
	_ =	sdelay $0x3  }
0x97: {  	_ =	strace s6  }
0x98: {  	s6 =	sld [smem:$0x3FFD];
	_ =	sdelay $0x3  }
0x99: {  	_ =	strace s6  }
0x9a: {  	_ =	strace $0x8FFFFFFF  }
0x9b: {  	s20 =	sld [smem:$0x3FDB];
	_ =	sdelay $0x1  }
0x9c: {  	s7 =	simm.s32 $_scs_section_size  }
0x9d: {  	s8 =	simm.s32 $_size__tile_overlayer_lowered;
	s9 =	simm.s32 $_tile_overlayer_lowered  }
0x9e: {  	s23 =	simm.s32 $0x1BFF;
	s22 =	sshll.u32 s9, $0x1;
	s6 =	sadd.s32 s7, s20  }
0x9f: {  	s10 =	simm.s32 $0x0;
	s21 =	sshll.u32 s8, $0x1;
	s8 =	sadd.s32 s22, s6  }
0xa0: {  	[timem:s10], [sflag:s23] =	dma.local [hbm:s8], s21  }
0xa1: {  	_ =	swait.ge [sflag:s23], s21  }
0xa2: {  	s7 =	ssub.s32 $0x0, s21;
	[sflag:s23] =	ssyncset.done $0x0  }
0xa3: {  	[sflag:s23] =	ssyncadd.s32 s7;
	_ =	sdelay $0x1  }
0xa4: {  	s24 =	simm.s32 $0x1B8B  }
0xa5: {  	_ =	swait.ge [sflag:s24], $0x1  }
0xa6: {  	[sflag:s24] =	ssyncset.done $0x0  }
0xa7: {  	s25 =	simm.s32 $0x1B8E;
	[sflag:s24] =	ssyncadd.s32 $0xFFFFFFFF  }
0xa8: {  	s26 =	simm.s32 $execute0_lowered;
	[smem:$0x3FD2] =	sst s25  }
0xa9: {  	s7 =	sshll.u32 s26, $0x1;
	_ =	strace $0x80000046;
	[dreg:$0x1] =	wrdreg $0xFFFFFFFF  }
0xaa: {  	s28 =	simm.s32 $_size_execute0_lowered;
	s6 =	sadd.s32 s6, s7;
	[dreg:$0x0] =	wrdreg $0x0  }
0xab: {  	s7 =	sshll.u32 s28, $0x1;
	[dreg:$0x2] =	wrdreg s6  }
0xac: {  	[dreg:$0x3] =	wrdreg s7  }
0xad: {  	[dreg:$0x4] =	wrdreg $0xC0  }
0xae: {  	_ =	task [dreg:s10], $0x5FFFF  }
0xaf: {  	[dreg:$0x1] =	wrdreg $0xFFFFFFFF  }
0xb0: {  	[dreg:$0x0] =	wrdreg $0x60  }
0xb1: {  	[dreg:$0x2] =	wrdreg s2  }
0xb2: {  	[dreg:$0x3] =	wrdreg s19  }
0xb3: {  	[dreg:$0x4] =	wrdreg s4  }
0xb4: {  	[dreg:$0x5] =	wrdreg s5  }
0xb5: {  	[dreg:$0x6] =	wrdreg $0x8A800  }
0xb6: {  	[dreg:$0x7] =	wrdreg $0x9  }
0xb7: {  	_ =	task.clear_ibuf [dreg:s10], $0x8FFFF;
	_ =	strace $0x90000046  }
0xb8: {  	s29 =	simm.s32 $0x9;
	_ =	strace $0x80000048  }
0xb9: {  	_ =	swait.ge [sflag:s29], $0x1  }
0xba: {  	[sflag:s29] =	ssyncadd.s32 $0xFFFFFFFF  }
0xbb: {  	_ =	strace $0x90000048  }
0xbc: {  	_ =	sfence  }
0xbd: {  	s30 =	sld [smem:$0x0];
	_ =	sdelay $0x2  }
0xbe: {  	s31 =	sshll.u32 s1, $0xD;
	s1 =	sshrl.u32 s1, $0x2  }
0xbf: {  	s3 =	sand.u32 $0x4000, s31;
	s1 =	sadd.s32 s1, s30  }
0xc0: {  	s0 =	sor.u32 s3, s0;
	s1 =	sshll.u32 s1, $0x11  }
0xc1: {  	s0 =	sor.u32 s1, s0  }
0xc2: {  	s0 =	sadd.s32 $0x8F2B, s0  }
0xc3: {  	[sflag:s0] =	ssyncadd.remote.s32 $0x1  }
0xc4: {  	_ =	sfence.sel $0xFFFF  }
0xc5: {  	[dreg:$0x0] =	wrdreg $0xFFFFFFFF;
	(pc) =	sbr.abs _section_cstart, $3  }
0xc6: {  	[dreg:$0x1] =	wrdreg $0xFFFFFFFF  }
0xc7: {  	_ =	task.clear_ibuf [dreg:s10], $0x2FFFF;
	_ =	strace $0x9FFFFFFF  }
0xc8: {  	(tm) =	ssettm $0x7FFFFFFF  }
0xc9: {  	_ =	shalt  }
tec
execute0_lowered:
.L_overlay_start_1:
0x0: {  	(tag) =	ssettag $0x1  }
0x1: {  	s0 =	rddreg [dreg:$0x0]  }
0x2: {  	s1 =	rddreg [dreg:$0x1]  }
0x3: {  	s7 =	rddreg [dreg:$0x2]  }
0x4: {  	s8 =	rddreg [dreg:$0x3]  }
0x5: {  	s2 =	rddreg [dreg:$0x4];
	s4 =	srdreg.scid  }
0x6: {  	s3 =	simm.s32 $0x0;
	s10 =	stileid.u32;
	s13 =	simm.s32 $0x20000  }
0x7: {  	s16 =	simm.s32 $0x80;
	s17 =	simm.s32 $0x600;
	s18 =	simm.s32 $0x100  }
0x8: {  	s19 =	simm.s32 $0x180;
	s20 =	simm.s32 $0x200;
	s21 =	simm.s32 $0x280  }
0x9: {  	s22 =	simm.s32 $0x300;
	s23 =	simm.s32 $0x380;
	s24 =	simm.s32 $0x3  }
0xa: {  	s14 =	simm.s32 $0x2;
	s25 =	simm.s32 $0x0;
	s4 =	sand.u32 $0x1, s4  }
0xb: {  	[smem:$0x7FF] =	sst s3;
	s5 =	sshll.u32 s10, $0xA;
	s30 =	sshll.u32 s10, $0x7  }
0xc: {  	s10 =	simm.s32 $0x4;
	s6 =	sshll.u32 s4, $0x9;
	s4 =	ssub.s32 $0x2, s4  }
0xd: {  	_ =	strace $0x80000047;
	s9 =	sor.u32 s6, s5;
	s29 =	sshrl.u32 s4, $0x1  }
0xe: {  	s31 =	sshrl.u32 s9, $0x3;
	s11 =	ssub.s32 s4, s29;
	s4 =	sadd.s32 s0, s30  }
0xf: {  	s6 =	sadd.s32 s1, s9;
	s7 =	sadd.s32 s7, s9;
	s1 =	simm.s32 $0x1  }
0x10: {  	v0 =	vimm.f32 $0.0e+00;
	v1 =	vimm.f32 $1.000000000e+00;
	s5 =	sadd.s32 s0, s31;
	s8 =	sadd.s32 s8, s31;
	s9 =	smax.u32 s11, $0x1  }
.LBB2_1:
0x11: {  	[tilespmem:s3], [sflag:$0x4] =	stream.linear.gather [hbm4b:s4+s3], $0x400, $0x38;
	[tilespmem:$0x17EA8] =	vst v63  }
0x12: {  	_ =	swait.ge [sflag:s10], $0x400  }
0x13: {  	[sflag:s10] =	ssyncset.done $0x0  }
0x14: {  	s0 =	simm.s32 $0x400;
	[sflag:s10] =	ssyncadd.s32 $0xFFFFFC00  }
0x15: {  	[tilespmem:s0], [sflag:$0x4] =	stream.linear.gather [hbm4b:s5+s3], $0x200, $0x38;
	[tilespmem:$0x17EA8] =	vst v63  }
0x16: {  	_ =	swait.ge [sflag:s10], $0x200  }
0x17: {  	[sflag:s10] =	ssyncset.done $0x0  }
0x18: {  	s11 =	simm.s32 $0x1000;
	s12 =	simm.s32 $0x880;
	[sflag:s10] =	ssyncadd.s32 $0xFFFFFE00  }
0x19: {  	[tilespmem:s12], [sflag:$0x1] =	stream.strided.gather [hbm4b:s6+s11], $0x4000, s13, s11, $0x38;
	[tilespmem:$0x17EA8] =	vst v63  }
0x1a: {  	s15 =	simm.s32 $0x4880  }
0x1b: {  	[tilespmem:s15], [sflag:$0x2] =	stream.strided.gather [hbm4b:s7+s11], $0x4000, s13, s11, $0x38;
	[tilespmem:$0x17EA8] =	vst v63  }
0x1c: {  	[tilespmem:$0x600] =	vst v0  }
0x1d: {  	[tilespmem:$0x610] =	vst v0  }
0x1e: {  	[tilespmem:$0x620] =	vst v0  }
0x1f: {  	[tilespmem:$0x630] =	vst v0  }
0x20: {  	[tilespmem:$0x640] =	vst v0  }
0x21: {  	[tilespmem:$0x650] =	vst v0  }
0x22: {  	[tilespmem:$0x660] =	vst v0  }
0x23: {  	[tilespmem:$0x670] =	vst v0  }
0x24: {  	[spmem:s2] =	stream.indirect.scatter [tilespmem:s17], [sflag:$0x3], $0x1, s3, s16, $0xb8;
	[tilespmem:$0x17EA8] =	vst v63  }
0x25: {  	_ = 	snop  }
0x26: {  	[spmem:s2] =	stream.indirect.scatter [tilespmem:s17], [sflag:$0x3], $0x1, s16, s16, $0xb8;
	[tilespmem:$0x17EA8] =	vst v63  }
0x27: {  	_ = 	snop  }
0x28: {  	[spmem:s2] =	stream.indirect.scatter [tilespmem:s17], [sflag:$0x3], $0x1, s18, s16, $0xb8;
	[tilespmem:$0x17EA8] =	vst v63  }
0x29: {  	_ = 	snop  }
0x2a: {  	[spmem:s2] =	stream.indirect.scatter [tilespmem:s17], [sflag:$0x3], $0x1, s19, s16, $0xb8;
	[tilespmem:$0x17EA8] =	vst v63  }
0x2b: {  	_ = 	snop  }
0x2c: {  	[spmem:s2] =	stream.indirect.scatter [tilespmem:s17], [sflag:$0x3], $0x1, s20, s16, $0xb8;
	[tilespmem:$0x17EA8] =	vst v63  }
0x2d: {  	_ = 	snop  }
0x2e: {  	[spmem:s2] =	stream.indirect.scatter [tilespmem:s17], [sflag:$0x3], $0x1, s21, s16, $0xb8;
	[tilespmem:$0x17EA8] =	vst v63  }
0x2f: {  	_ = 	snop  }
0x30: {  	[spmem:s2] =	stream.indirect.scatter [tilespmem:s17], [sflag:$0x3], $0x1, s22, s16, $0xb8;
	[tilespmem:$0x17EA8] =	vst v63  }
0x31: {  	_ = 	snop  }
0x32: {  	[spmem:s2] =	stream.indirect.scatter [tilespmem:s17], [sflag:$0x3], $0x1, s23, s16, $0xb8;
	[tilespmem:$0x17EA8] =	vst v63  }
0x33: {  	_ =	swait.ge [sflag:s24], $0x80  }
0x34: {  	[sflag:s24] =	ssyncset.done $0x0  }
0x35: {  	[sflag:s24] =	ssyncadd.s32 $0xFFFFFF80  }
0x36: {  	_ =	swait.ge [sflag:s24], $0x80  }
0x37: {  	[sflag:s24] =	ssyncset.done $0x0  }
0x38: {  	[sflag:s24] =	ssyncadd.s32 $0xFFFFFF80  }
0x39: {  	_ =	swait.ge [sflag:s24], $0x80  }
0x3a: {  	[sflag:s24] =	ssyncset.done $0x0  }
0x3b: {  	[sflag:s24] =	ssyncadd.s32 $0xFFFFFF80  }
0x3c: {  	_ =	swait.ge [sflag:s24], $0x80  }
0x3d: {  	[sflag:s24] =	ssyncset.done $0x0  }
0x3e: {  	[sflag:s24] =	ssyncadd.s32 $0xFFFFFF80  }
0x3f: {  	_ =	swait.ge [sflag:s24], $0x80  }
0x40: {  	[sflag:s24] =	ssyncset.done $0x0  }
0x41: {  	[sflag:s24] =	ssyncadd.s32 $0xFFFFFF80  }
0x42: {  	_ =	swait.ge [sflag:s24], $0x80  }
0x43: {  	[sflag:s24] =	ssyncset.done $0x0  }
0x44: {  	[sflag:s24] =	ssyncadd.s32 $0xFFFFFF80  }
0x45: {  	_ =	swait.ge [sflag:s24], $0x80  }
0x46: {  	[sflag:s24] =	ssyncset.done $0x0  }
0x47: {  	[sflag:s24] =	ssyncadd.s32 $0xFFFFFF80  }
0x48: {  	_ =	swait.ge [sflag:s24], $0x80  }
0x49: {  	[sflag:s24] =	ssyncset.done $0x0  }
0x4a: {  	[sflag:s24] =	ssyncadd.s32 $0xFFFFFF80  }
0x4b: {  	[bflag:$0x0] =	sbarrier.arrive $0xFFFF  }
0x4c: {  	[tilespmem:$0x600] =	vst v1  }
0x4d: {  	[tilespmem:$0x610] =	vst v1  }
0x4e: {  	[tilespmem:$0x620] =	vst v1  }
0x4f: {  	[tilespmem:$0x630] =	vst v1  }
0x50: {  	[tilespmem:$0x640] =	vst v1  }
0x51: {  	[tilespmem:$0x650] =	vst v1  }
0x52: {  	[tilespmem:$0x660] =	vst v1  }
0x53: {  	[tilespmem:$0x670] =	vst v1  }
0x54: {  	[spmem:s2] =	stream.indirect.scatter.add.f32 [tilespmem:s17], [sflag:$0x3], $0x1, s3, s16, $0xb8;
	[tilespmem:$0x17EA8] =	vst v63  }
0x55: {  	_ = 	snop  }
0x56: {  	[spmem:s2] =	stream.indirect.scatter.add.f32 [tilespmem:s17], [sflag:$0x3], $0x1, s16, s16, $0xb8;
	[tilespmem:$0x17EA8] =	vst v63  }
0x57: {  	_ = 	snop  }
0x58: {  	[spmem:s2] =	stream.indirect.scatter.add.f32 [tilespmem:s17], [sflag:$0x3], $0x1, s18, s16, $0xb8;
	[tilespmem:$0x17EA8] =	vst v63  }
0x59: {  	_ = 	snop  }
0x5a: {  	[spmem:s2] =	stream.indirect.scatter.add.f32 [tilespmem:s17], [sflag:$0x3], $0x1, s19, s16, $0xb8;
	[tilespmem:$0x17EA8] =	vst v63  }
0x5b: {  	_ = 	snop  }
0x5c: {  	[spmem:s2] =	stream.indirect.scatter.add.f32 [tilespmem:s17], [sflag:$0x3], $0x1, s20, s16, $0xb8;
	[tilespmem:$0x17EA8] =	vst v63  }
0x5d: {  	_ = 	snop  }
0x5e: {  	[spmem:s2] =	stream.indirect.scatter.add.f32 [tilespmem:s17], [sflag:$0x3], $0x1, s21, s16, $0xb8;
	[tilespmem:$0x17EA8] =	vst v63  }
0x5f: {  	_ = 	snop  }
0x60: {  	[spmem:s2] =	stream.indirect.scatter.add.f32 [tilespmem:s17], [sflag:$0x3], $0x1, s22, s16, $0xb8;
	[tilespmem:$0x17EA8] =	vst v63  }
0x61: {  	_ = 	snop  }
0x62: {  	[spmem:s2] =	stream.indirect.scatter.add.f32 [tilespmem:s17], [sflag:$0x3], $0x1, s23, s16, $0xb8;
	[tilespmem:$0x17EA8] =	vst v63  }
0x63: {  	_ =	swait.ge [sflag:s24], $0x80  }
0x64: {  	[sflag:s24] =	ssyncset.done $0x0  }
0x65: {  	[sflag:s24] =	ssyncadd.s32 $0xFFFFFF80  }
0x66: {  	_ =	swait.ge [sflag:s24], $0x80  }
0x67: {  	[sflag:s24] =	ssyncset.done $0x0  }
0x68: {  	[sflag:s24] =	ssyncadd.s32 $0xFFFFFF80  }
0x69: {  	_ =	swait.ge [sflag:s24], $0x80  }
0x6a: {  	[sflag:s24] =	ssyncset.done $0x0  }
0x6b: {  	[sflag:s24] =	ssyncadd.s32 $0xFFFFFF80  }
0x6c: {  	_ =	swait.ge [sflag:s24], $0x80  }
0x6d: {  	[sflag:s24] =	ssyncset.done $0x0  }
0x6e: {  	[sflag:s24] =	ssyncadd.s32 $0xFFFFFF80  }
0x6f: {  	_ =	swait.ge [sflag:s24], $0x80  }
0x70: {  	[sflag:s24] =	ssyncset.done $0x0  }
0x71: {  	[sflag:s24] =	ssyncadd.s32 $0xFFFFFF80  }
0x72: {  	_ =	swait.ge [sflag:s24], $0x80  }
0x73: {  	[sflag:s24] =	ssyncset.done $0x0  }
0x74: {  	[sflag:s24] =	ssyncadd.s32 $0xFFFFFF80  }
0x75: {  	_ =	swait.ge [sflag:s24], $0x80  }
0x76: {  	[sflag:s24] =	ssyncset.done $0x0  }
0x77: {  	[sflag:s24] =	ssyncadd.s32 $0xFFFFFF80  }
0x78: {  	_ =	swait.ge [sflag:s24], $0x80  }
0x79: {  	[sflag:s24] =	ssyncset.done $0x0  }
0x7a: {  	[sflag:s24] =	ssyncadd.s32 $0xFFFFFF80  }
0x7b: {  	s26 =	simm.s32 $0x680;
	[bflag:$0x0] =	sbarrier.arrive $0xFFFF  }
0x7c: {  	[tilespmem:s26], [sflag:$0x3] =	stream.indirect.gather [spmem:s2], $0x1, s0, s16, $0xb8;
	[tilespmem:$0x17EA8] =	vst v63  }
0x7d: {  	s12 =	simm.s32 $0x700;
	s11 =	simm.s32 $0x480  }
0x7e: {  	[tilespmem:s12], [sflag:$0x3] =	stream.indirect.gather [spmem:s2], $0x1, s11, s16, $0xb8;
	[tilespmem:$0x17EA8] =	vst v63  }
0x7f: {  	s15 =	simm.s32 $0x500;
	s26 =	simm.s32 $0x780  }
0x80: {  	[tilespmem:s26], [sflag:$0x3] =	stream.indirect.gather [spmem:s2], $0x1, s15, s16, $0xb8;
	[tilespmem:$0x17EA8] =	vst v63  }
0x81: {  	s11 =	simm.s32 $0x580;
	s12 =	simm.s32 $0x800  }
0x82: {  	[tilespmem:s12], [sflag:$0x3] =	stream.indirect.gather [spmem:s2], $0x1, s11, s16, $0xb8;
	[tilespmem:$0x17EA8] =	vst v63  }
0x83: {  	_ =	swait.ge [sflag:s1], $0x4000  }
0x84: {  	[sflag:s1] =	ssyncset.done $0x0  }
0x85: {  	[sflag:s1] =	ssyncadd.s32 $0xFFFFC000  }
0x86: {  	_ =	swait.ge [sflag:s14], $0x4000  }
0x87: {  	s26 =	sand.u32 $0x70, s3;
	s15 =	sand.u32 $0xC00, s3;
	[sflag:s14] =	ssyncset.done $0x0  }
0x88: {  	s29 =	sor.u32 s26, s15;
	[sflag:s14] =	ssyncadd.s32 $0xFFFFC000  }
0x89: {  	s30 =	simm.s32 $0x0;
	v2 =	vld [tilespmem:s29+$0x4880]  }
0x8a: {  	s31 =	simm.s32 $0x0;
	s28 =	simm.s32 $0x0;
	s0 =	simm.s32 $0x40;
	v3 =	vld [tilespmem:s29+$0x880]  }
.LBB2_2:
0x8b: {  	p0 =	sne.s32 s0, $0x7C0;
	v4 =	vld [tilespmem:s29+$0x900]  }
0x8c: {  	s11 =	sand.u32 $0xFFFFFC00, s30;
	v5 =	vld [tilespmem:s29+$0x4900]  }
0x8d: {  	s11 =	sadd.s32 s11, s31;
	v6 =	vld [tilespmem:s29+$0x980]  }
0x8e: {  	s15 =	sor.u32 $0x180, s11;
	v7 =	vld [tilespmem:s29+$0x4980]  }
0x8f: {  	v8 =	vld [tilespmem:s15+$0x880]  }
0x90: {  	v9 =	vld [tilespmem:s15+$0x4880]  }
0x91: {  	v2 =	vsub.f32 v3, v2;
	v3 =	vsub.f32 v4, v5;
	v4 =	vld [tilespmem:s29+$0xA80]  }
0x92: {  	v5 =	vld [tilespmem:s29+$0x4A80]  }
0x93: {  	v2 =	vmul.f32 v2, v2;
	v3 =	vmul.f32 v3, v3;
	v6 =	vsub.f32 v6, v7;
	v7 =	vld [tilespmem:s29+$0xB00]  }
0x94: {  	v10 =	vld [tilespmem:s29+$0x4B00]  }
0x95: {  	s15 =	sor.u32 s31, s30;
	v2 =	vadd.f32 v3, v2;
	v3 =	vmul.f32 v6, v6;
	v6 =	vsub.f32 v8, v9;
	v8 =	vld [tilespmem:s29+$0xB80]  }
0x96: {  	s12 =	sor.u32 $0x380, s15;
	v9 =	vld [tilespmem:s29+$0x4B80]  }
0x97: {  	v2 =	vadd.f32 v3, v2;
	v3 =	vmul.f32 v6, v6;
	v4 =	vsub.f32 v4, v5;
	v5 =	vld [tilespmem:s12+$0x880]  }
0x98: {  	v6 =	vld [tilespmem:s12+$0x4880]  }
0x99: {  	v2 =	vadd.f32 v3, v2;
	v3 =	vmul.f32 v4, v4;
	v4 =	vsub.f32 v7, v10;
	v7 =	vld [tilespmem:s29+$0x1880]  }
0x9a: {  	v10 =	vld [tilespmem:s29+$0x5880]  }
0x9b: {  	v2 =	vadd.f32 v3, v2;
	v3 =	vmul.f32 v4, v4;
	v4 =	vsub.f32 v8, v9;
	v8 =	vld [tilespmem:s29+$0x1900]  }
0x9c: {  	v9 =	vld [tilespmem:s29+$0x5900]  }
0x9d: {  	v2 =	vadd.f32 v3, v2;
	v3 =	vmul.f32 v4, v4;
	v4 =	vsub.f32 v5, v6;
	v5 =	vld [tilespmem:s29+$0x1980]  }
0x9e: {  	s12 =	sor.u32 $0x1180, s11;
	v6 =	vld [tilespmem:s29+$0x5980]  }
0x9f: {  	v2 =	vadd.f32 v3, v2;
	v3 =	vmul.f32 v4, v4;
	v4 =	vsub.f32 v7, v10;
	v7 =	vld [tilespmem:s12+$0x880]  }
0xa0: {  	v10 =	vld [tilespmem:s12+$0x4880]  }
0xa1: {  	v2 =	vadd.f32 v3, v2;
	v3 =	vmul.f32 v4, v4;
	v4 =	vsub.f32 v8, v9;
	v8 =	vld [tilespmem:s29+$0x1A80]  }
0xa2: {  	v9 =	vld [tilespmem:s29+$0x5A80]  }
0xa3: {  	v2 =	vadd.f32 v3, v2;
	v3 =	vmul.f32 v4, v4;
	v4 =	vsub.f32 v5, v6;
	v5 =	vld [tilespmem:s29+$0x1B00]  }
0xa4: {  	v6 =	vld [tilespmem:s29+$0x5B00]  }
0xa5: {  	v2 =	vadd.f32 v3, v2;
	v3 =	vmul.f32 v4, v4;
	v4 =	vsub.f32 v7, v10;
	v7 =	vld [tilespmem:s29+$0x1B80]  }
0xa6: {  	s12 =	sor.u32 $0x1380, s15;
	v10 =	vld [tilespmem:s29+$0x5B80]  }
0xa7: {  	v2 =	vadd.f32 v3, v2;
	v3 =	vmul.f32 v4, v4;
	v4 =	vsub.f32 v8, v9;
	v8 =	vld [tilespmem:s12+$0x880]  }
0xa8: {  	v9 =	vld [tilespmem:s12+$0x4880]  }
0xa9: {  	v2 =	vadd.f32 v3, v2;
	v3 =	vmul.f32 v4, v4;
	v4 =	vsub.f32 v5, v6;
	v5 =	vld [tilespmem:s29+$0x2880]  }
0xaa: {  	v6 =	vld [tilespmem:s29+$0x6880]  }
0xab: {  	v2 =	vadd.f32 v3, v2;
	v3 =	vmul.f32 v4, v4;
	v4 =	vsub.f32 v7, v10;
	v7 =	vld [tilespmem:s29+$0x2900]  }
0xac: {  	v10 =	vld [tilespmem:s29+$0x6900]  }
0xad: {  	v2 =	vadd.f32 v3, v2;
	v3 =	vmul.f32 v4, v4;
	v4 =	vsub.f32 v8, v9;
	v8 =	vld [tilespmem:s29+$0x2980]  }
0xae: {  	s12 =	sor.u32 $0x2180, s11;
	v9 =	vld [tilespmem:s29+$0x6980]  }
0xaf: {  	v2 =	vadd.f32 v3, v2;
	v3 =	vmul.f32 v4, v4;
	v4 =	vsub.f32 v5, v6;
	v5 =	vld [tilespmem:s12+$0x880]  }
0xb0: {  	v6 =	vld [tilespmem:s12+$0x4880]  }
0xb1: {  	v2 =	vadd.f32 v3, v2;
	v3 =	vmul.f32 v4, v4;
	v4 =	vsub.f32 v7, v10;
	v7 =	vld [tilespmem:s29+$0x2A80]  }
0xb2: {  	v10 =	vld [tilespmem:s29+$0x6A80]  }
0xb3: {  	v2 =	vadd.f32 v3, v2;
	v3 =	vmul.f32 v4, v4;
	v4 =	vsub.f32 v8, v9;
	v8 =	vld [tilespmem:s29+$0x2B00]  }
0xb4: {  	v9 =	vld [tilespmem:s29+$0x6B00]  }
0xb5: {  	v2 =	vadd.f32 v3, v2;
	v3 =	vmul.f32 v4, v4;
	v4 =	vsub.f32 v5, v6;
	v5 =	vld [tilespmem:s29+$0x2B80]  }
0xb6: {  	s12 =	sor.u32 $0x2380, s15;
	v6 =	vld [tilespmem:s29+$0x6B80]  }
0xb7: {  	v2 =	vadd.f32 v3, v2;
	v3 =	vmul.f32 v4, v4;
	v4 =	vsub.f32 v7, v10;
	v7 =	vld [tilespmem:s12+$0x880]  }
0xb8: {  	v10 =	vld [tilespmem:s12+$0x4880]  }
0xb9: {  	v2 =	vadd.f32 v3, v2;
	v3 =	vmul.f32 v4, v4;
	v4 =	vsub.f32 v8, v9;
	v8 =	vld [tilespmem:s29+$0x3880]  }
0xba: {  	v9 =	vld [tilespmem:s29+$0x7880]  }
0xbb: {  	v2 =	vadd.f32 v3, v2;
	v3 =	vmul.f32 v4, v4;
	v4 =	vsub.f32 v5, v6;
	v5 =	vld [tilespmem:s29+$0x3900]  }
0xbc: {  	v6 =	vld [tilespmem:s29+$0x7900]  }
0xbd: {  	v2 =	vadd.f32 v3, v2;
	v3 =	vmul.f32 v4, v4;
	v4 =	vsub.f32 v7, v10;
	v7 =	vld [tilespmem:s29+$0x3980]  }
0xbe: {  	s11 =	sor.u32 $0x3180, s11;
	v10 =	vld [tilespmem:s29+$0x7980]  }
0xbf: {  	v2 =	vadd.f32 v3, v2;
	v3 =	vmul.f32 v4, v4;
	v4 =	vsub.f32 v8, v9;
	v8 =	vld [tilespmem:s11+$0x880]  }
0xc0: {  	v9 =	vld [tilespmem:s11+$0x4880]  }
0xc1: {  	v2 =	vadd.f32 v3, v2;
	v3 =	vmul.f32 v4, v4;
	v4 =	vsub.f32 v5, v6;
	v5 =	vld [tilespmem:s29+$0x3A80]  }
0xc2: {  	v6 =	vld [tilespmem:s29+$0x7A80]  }
0xc3: {  	v2 =	vadd.f32 v3, v2;
	v3 =	vmul.f32 v4, v4;
	v4 =	vsub.f32 v7, v10;
	v7 =	vld [tilespmem:s29+$0x3B00]  }
0xc4: {  	v10 =	vld [tilespmem:s29+$0x7B00]  }
0xc5: {  	v2 =	vadd.f32 v3, v2;
	v3 =	vmul.f32 v4, v4;
	v4 =	vsub.f32 v8, v9;
	v8 =	vld [tilespmem:s29+$0x3B80]  }
0xc6: {  	s11 =	sor.u32 $0x3380, s15;
	v9 =	vld [tilespmem:s29+$0x7B80]  }
0xc7: {  	v2 =	vadd.f32 v3, v2;
	v3 =	vmul.f32 v4, v4;
	v4 =	vsub.f32 v5, v6;
	v5 =	vld [tilespmem:s11+$0x880]  }
0xc8: {  	v6 =	vld [tilespmem:s11+$0x4880]  }
0xc9: {  	v2 =	vadd.f32 v3, v2;
	v3 =	vmul.f32 v4, v4;
	v4 =	vsub.f32 v7, v10;
	_ =	sdelay $0x1  }
0xca: {  	v2 =	vadd.f32 v3, v2;
	v3 =	vmul.f32 v4, v4;
	v4 =	vsub.f32 v8, v9;
	_ =	sdelay $0x1  }
0xcb: {  	v2 =	vadd.f32 v3, v2;
	v3 =	vmul.f32 v4, v4;
	v4 =	vsub.f32 v5, v6;
	_ =	sdelay $0x1  }
0xcc: {  	v2 =	vadd.f32 v3, v2;
	v3 =	vmul.f32 v4, v4  }
0xcd: {  	s30 =	sadd.s32 $0x80, s30;
	s11 =	sand.u32 $0x600, s28;
	s28 =	smov.u32 s0  }
.Ltmp0:
0xce: {  	s31 =	sadd.s32 $0x10, s31;
	s11 =	sshrl.u32 s11, $0x2;
	v2 =	vadd.f32 v3, v2;
	(pc) =	sbr.rel @p0 .LBB2_2-.Ltmp0, $4  }
0xcf: {  	s12 =	sand.u32 $0xC00, s30;
	s11 =	sor.u32 s26, s11;
	s26 =	sand.u32 $0x70, s31  }
0xd0: {  	s29 =	sor.u32 s26, s12;
	[tilespmem:s11+$0x8880] =	vst v2  }
0xd1: {  	v2 =	vld [tilespmem:s29+$0x4880]  }
0xd2: {  	s0 =	sadd.s32 $0x40, s0;
	v3 =	vld [tilespmem:s29+$0x880]  }
0xd3: {  	v4 =	vld [tilespmem:s29+$0x900]  }
0xd4: {  	s0 =	sand.u32 $0xFFFFFC00, s30;
	v5 =	vld [tilespmem:s29+$0x4900]  }
0xd5: {  	v6 =	vld [tilespmem:s29+$0x980];
	s11 =	sadd.s32 s0, s31  }
0xd6: {  	v7 =	vld [tilespmem:s29+$0x4980];
	s0 =	sor.u32 $0x180, s11  }
0xd7: {  	v8 =	vld [tilespmem:s0+$0x880]  }
0xd8: {  	v9 =	vld [tilespmem:s0+$0x4880]  }
0xd9: {  	v28 =	vld [tilespmem:s29+$0xA80];
	v2 =	vsub.f32 v3, v2;
	v3 =	vsub.f32 v4, v5  }
0xda: {  	v29 =	vld [tilespmem:s29+$0x4A80]  }
0xdb: {  	v30 =	vld [tilespmem:s29+$0xB00];
	v6 =	vsub.f32 v6, v7;
	v2 =	vmul.f32 v2, v2;
	v3 =	vmul.f32 v3, v3  }
0xdc: {  	v10 =	vld [tilespmem:s29+$0x4B00]  }
0xdd: {  	v32 =	vld [tilespmem:s29+$0xB80];
	s0 =	sor.u32 s31, s30;
	v31 =	vsub.f32 v8, v9;
	v2 =	vadd.f32 v3, v2;
	v3 =	vmul.f32 v6, v6  }
0xde: {  	v33 =	vld [tilespmem:s29+$0x4B80];
	s12 =	sor.u32 $0x380, s0  }
0xdf: {  	v4 =	vsub.f32 v28, v29;
	v34 =	vld [tilespmem:s12+$0x880];
	v2 =	vadd.f32 v3, v2;
	v3 =	vmul.f32 v31, v31  }
0xe0: {  	v35 =	vld [tilespmem:s12+$0x4880]  }
0xe1: {  	v37 =	vld [tilespmem:s29+$0x1880];
	v36 =	vsub.f32 v30, v10;
	v2 =	vadd.f32 v3, v2;
	v3 =	vmul.f32 v4, v4  }
0xe2: {  	v38 =	vld [tilespmem:s29+$0x5880]  }
0xe3: {  	v40 =	vld [tilespmem:s29+$0x1900];
	v39 =	vsub.f32 v32, v33;
	v2 =	vadd.f32 v3, v2;
	v3 =	vmul.f32 v36, v36  }
0xe4: {  	v41 =	vld [tilespmem:s29+$0x5900]  }
0xe5: {  	v43 =	vld [tilespmem:s29+$0x1980];
	v42 =	vsub.f32 v34, v35;
	v2 =	vadd.f32 v3, v2;
	v3 =	vmul.f32 v39, v39  }
0xe6: {  	v44 =	vld [tilespmem:s29+$0x5980];
	s15 =	sor.u32 $0x1180, s11  }
0xe7: {  	v46 =	vld [tilespmem:s15+$0x880];
	v45 =	vsub.f32 v37, v38;
	v2 =	vadd.f32 v3, v2;
	v3 =	vmul.f32 v42, v42  }
0xe8: {  	v47 =	vld [tilespmem:s15+$0x4880]  }
0xe9: {  	v49 =	vld [tilespmem:s29+$0x1A80];
	v48 =	vsub.f32 v40, v41;
	v2 =	vadd.f32 v3, v2;
	v3 =	vmul.f32 v45, v45  }
0xea: {  	v50 =	vld [tilespmem:s29+$0x5A80]  }
0xeb: {  	v52 =	vld [tilespmem:s29+$0x1B00];
	v51 =	vsub.f32 v43, v44;
	v2 =	vadd.f32 v3, v2;
	v3 =	vmul.f32 v48, v48  }
0xec: {  	v53 =	vld [tilespmem:s29+$0x5B00]  }
0xed: {  	v55 =	vld [tilespmem:s29+$0x1B80];
	v54 =	vsub.f32 v46, v47;
	v2 =	vadd.f32 v3, v2;
	v3 =	vmul.f32 v51, v51  }
0xee: {  	v56 =	vld [tilespmem:s29+$0x5B80];
	s30 =	sor.u32 $0x1380, s0  }
0xef: {  	v57 =	vsub.f32 v49, v50;
	v58 =	vld [tilespmem:s30+$0x880];
	v2 =	vadd.f32 v3, v2;
	v3 =	vmul.f32 v54, v54  }
0xf0: {  	v59 =	vld [tilespmem:s30+$0x4880]  }
0xf1: {  	v61 =	vld [tilespmem:s29+$0x2880];
	v60 =	vsub.f32 v52, v53;
	v2 =	vadd.f32 v3, v2;
	v3 =	vmul.f32 v57, v57  }
0xf2: {  	v62 =	vld [tilespmem:s29+$0x6880]  }
0xf3: {  	v12 =	vld [tilespmem:s29+$0x2900];
	v63 =	vsub.f32 v55, v56;
	v2 =	vadd.f32 v3, v2;
	v3 =	vmul.f32 v60, v60  }
0xf4: {  	v13 =	vld [tilespmem:s29+$0x6900]  }
0xf5: {  	v15 =	vld [tilespmem:s29+$0x2980];
	v14 =	vsub.f32 v58, v59;
	v2 =	vadd.f32 v3, v2;
	v3 =	vmul.f32 v63, v63  }
0xf6: {  	v16 =	vld [tilespmem:s29+$0x6980];
	s31 =	sor.u32 $0x2180, s11  }
0xf7: {  	v18 =	vld [tilespmem:s31+$0x880];
	v17 =	vsub.f32 v61, v62;
	v2 =	vadd.f32 v3, v2;
	v3 =	vmul.f32 v14, v14  }
0xf8: {  	v19 =	vld [tilespmem:s31+$0x4880]  }
0xf9: {  	v21 =	vld [tilespmem:s29+$0x2A80];
	v20 =	vsub.f32 v12, v13;
	v2 =	vadd.f32 v3, v2;
	v3 =	vmul.f32 v17, v17  }
0xfa: {  	v22 =	vld [tilespmem:s29+$0x6A80]  }
0xfb: {  	v24 =	vld [tilespmem:s29+$0x2B00];
	v23 =	vsub.f32 v15, v16;
	v2 =	vadd.f32 v3, v2;
	v3 =	vmul.f32 v20, v20  }
0xfc: {  	v25 =	vld [tilespmem:s29+$0x6B00]  }
0xfd: {  	v27 =	vld [tilespmem:s29+$0x2B80];
	v26 =	vsub.f32 v18, v19;
	v2 =	vadd.f32 v3, v2;
	v3 =	vmul.f32 v23, v23  }
0xfe: {  	s15 =	sor.u32 $0x2380, s0;
	v28 =	vld [tilespmem:s29+$0x6B80]  }
0xff: {  	v29 =	vsub.f32 v21, v22;
	v30 =	vld [tilespmem:s15+$0x880];
	v2 =	vadd.f32 v3, v2;
	v3 =	vmul.f32 v26, v26  }
0x100: {  	v31 =	vld [tilespmem:s15+$0x4880]  }
0x101: {  	v32 =	vsub.f32 v24, v25;
	v33 =	vld [tilespmem:s29+$0x3880];
	v2 =	vadd.f32 v3, v2;
	v3 =	vmul.f32 v29, v29  }
0x102: {  	v34 =	vld [tilespmem:s29+$0x7880]  }
0x103: {  	v37 =	vld [tilespmem:s29+$0x7900];
	v35 =	vsub.f32 v27, v28;
	v2 =	vadd.f32 v3, v2;
	v3 =	vmul.f32 v32, v32  }
0x104: {  	v36 =	vld [tilespmem:s29+$0x3900]  }
0x105: {  	v40 =	vld [tilespmem:s29+$0x7980];
	v38 =	vsub.f32 v30, v31;
	v2 =	vadd.f32 v3, v2;
	v3 =	vmul.f32 v35, v35  }
0x106: {  	s11 =	sor.u32 $0x3180, s11;
	v39 =	vld [tilespmem:s29+$0x3980]  }
0x107: {  	v43 =	vld [tilespmem:s11+$0x4880];
	v41 =	vsub.f32 v33, v34;
	v2 =	vadd.f32 v3, v2;
	v3 =	vmul.f32 v38, v38  }
0x108: {  	v42 =	vld [tilespmem:s11+$0x880]  }
0x109: {  	v46 =	vld [tilespmem:s29+$0x7A80];
	v44 =	vsub.f32 v36, v37;
	v2 =	vadd.f32 v3, v2;
	v3 =	vmul.f32 v41, v41  }
0x10a: {  	v45 =	vld [tilespmem:s29+$0x3A80]  }
0x10b: {  	v49 =	vld [tilespmem:s29+$0x7B00];
	v47 =	vsub.f32 v39, v40;
	v2 =	vadd.f32 v3, v2;
	v3 =	vmul.f32 v44, v44  }
0x10c: {  	v48 =	vld [tilespmem:s29+$0x3B00]  }
0x10d: {  	v52 =	vld [tilespmem:s29+$0x7B80];
	v50 =	vsub.f32 v42, v43;
	v2 =	vadd.f32 v3, v2;
	v3 =	vmul.f32 v47, v47  }
0x10e: {  	s0 =	sor.u32 $0x3380, s0;
	v51 =	vld [tilespmem:s29+$0x3B80]  }
0x10f: {  	v55 =	vld [tilespmem:s0+$0x4880];
	v53 =	vsub.f32 v45, v46;
	v2 =	vadd.f32 v3, v2;
	v3 =	vmul.f32 v50, v50  }
0x110: {  	v54 =	vld [tilespmem:s0+$0x880]  }
0x111: {  	v56 =	vsub.f32 v48, v49;
	v2 =	vadd.f32 v3, v2;
	v3 =	vmul.f32 v53, v53;
	_ =	sdelay $0x1  }
0x112: {  	v57 =	vsub.f32 v51, v52;
	v2 =	vadd.f32 v3, v2;
	v3 =	vmul.f32 v56, v56;
	_ =	sdelay $0x1  }
0x113: {  	v58 =	vsub.f32 v54, v55;
	v2 =	vadd.f32 v3, v2;
	v3 =	vmul.f32 v57, v57;
	_ =	sdelay $0x1  }
0x114: {  	v2 =	vadd.f32 v3, v2;
	v3 =	vmul.f32 v58, v58  }
0x115: {  	s30 =	sand.u32 $0x600, s28  }
0x116: {  	s0 =	sshrl.u32 s30, $0x2;
	v2 =	vadd.f32 v3, v2  }
0x117: {  	s0 =	sor.u32 s26, s0  }
0x118: {  	[tilespmem:s0+$0x8880] =	vst v2  }
0x119: {  	_ =	swait.ge [sflag:s24], $0x80  }
0x11a: {  	[sflag:s24] =	ssyncset.done $0x0  }
0x11b: {  	[sflag:s24] =	ssyncadd.s32 $0xFFFFFF80  }
0x11c: {  	_ =	swait.ge [sflag:s24], $0x80  }
0x11d: {  	[sflag:s24] =	ssyncset.done $0x0  }
0x11e: {  	[sflag:s24] =	ssyncadd.s32 $0xFFFFFF80  }
0x11f: {  	_ =	swait.ge [sflag:s24], $0x80  }
0x120: {  	[sflag:s24] =	ssyncset.done $0x0  }
0x121: {  	[sflag:s24] =	ssyncadd.s32 $0xFFFFFF80  }
0x122: {  	_ =	swait.ge [sflag:s24], $0x80  }
0x123: {  	[sflag:s24] =	ssyncset.done $0x0  }
0x124: {  	[sflag:s24] =	ssyncadd.s32 $0xFFFFFF80  }
0x125: {  	v2 =	vld [tilespmem:$0x8880]  }
0x126: {  	v3 =	vld [tilespmem:$0x680]  }
0x127: {  	v59 =	vld [tilespmem:$0x8890]  }
0x128: {  	v60 =	vld [tilespmem:$0x690]  }
0x129: {  	v61 =	vld [tilespmem:$0x88A0]  }
0x12a: {  	v62 =	vld [tilespmem:$0x6A0]  }
0x12b: {  	v63 =	vld [tilespmem:$0x88B0]  }
0x12c: {  	v32 =	vld [tilespmem:$0x6B0]  }
0x12d: {  	v33 =	vld [tilespmem:$0x88C0]  }
0x12e: {  	v11 =	vld [tilespmem:$0x6C0]  }
0x12f: {  	v12 =	vld [tilespmem:$0x88D0]  }
0x130: {  	v13 =	vld [tilespmem:$0x6D0]  }
0x131: {  	v14 =	vld [tilespmem:$0x88E0]  }
0x132: {  	v15 =	vld [tilespmem:$0x6E0]  }
0x133: {  	v16 =	vld [tilespmem:$0x88F0]  }
0x134: {  	v17 =	vld [tilespmem:$0x6F0]  }
0x135: {  	v18 =	vld [tilespmem:$0x8900]  }
0x136: {  	v19 =	vld [tilespmem:$0x700]  }
0x137: {  	v20 =	vld [tilespmem:$0x8910]  }
0x138: {  	v21 =	vld [tilespmem:$0x710]  }
0x139: {  	v22 =	vld [tilespmem:$0x8920]  }
0x13a: {  	v23 =	vld [tilespmem:$0x720]  }
0x13b: {  	v24 =	vld [tilespmem:$0x8930]  }
0x13c: {  	v25 =	vld [tilespmem:$0x730]  }
0x13d: {  	v26 =	vld [tilespmem:$0x8940]  }
0x13e: {  	v27 =	vld [tilespmem:$0x740]  }
0x13f: {  	v28 =	vld [tilespmem:$0x8950]  }
0x140: {  	v34 =	vld [tilespmem:$0x8960];
	(erf) = vrcp.f32 v3  }
0x141: {  	v35 =	vld [tilespmem:$0x760];
	(erf) = vrcp.f32 v60  }
0x142: {  	v36 =	vld [tilespmem:$0x8970];
	(erf) = vrcp.f32 v62  }
0x143: {  	v37 =	vld [tilespmem:$0x770];
	(erf) = vrcp.f32 v32  }
0x144: {  	v38 =	vld [tilespmem:$0x8980];
	(erf) = vrcp.f32 v11  }
0x145: {  	v39 =	vld [tilespmem:$0x780];
	(erf) = vrcp.f32 v13  }
0x146: {  	v40 =	vld [tilespmem:$0x8990];
	(erf) = vrcp.f32 v15  }
0x147: {  	v41 =	vld [tilespmem:$0x790];
	(erf) = vrcp.f32 v17  }
0x148: {  	v3 =	vld [tilespmem:$0x750];
	(erf) = vrcp.f32 v19  }
0x149: {  	v42 =	vld [tilespmem:$0x89A0];
	v29 =	vpop (erf);
	(erf) = vrcp.f32 v21  }
0x14a: {  	v44 =	vld [tilespmem:$0x7A0];
	v2 =	vmul.f32 v29, v2;
	v43 =	vpop (erf);
	(erf) = vrcp.f32 v23  }
0x14b: {  	v46 =	vld [tilespmem:$0x89B0];
	v4 =	vmul.f32 v43, v59;
	v45 =	vpop (erf);
	(erf) = vrcp.f32 v25  }
0x14c: {  	v48 =	vld [tilespmem:$0x7B0];
	[tilespmem:$0x8880] =	vst v2;
	v2 =	vmul.f32 v45, v61;
	v47 =	vpop (erf);
	(erf) = vrcp.f32 v27  }
0x14d: {  	v52 =	vld [tilespmem:$0x7C0];
	[tilespmem:$0x8890] =	vst v4;
	v49 =	vmul.f32 v47, v63;
	v50 =	vpop (erf);
	(erf) = vrcp.f32 v3  }
0x14e: {  	v55 =	vld [tilespmem:$0x89D0];
	[tilespmem:$0x88A0] =	vst v2;
	v2 =	vmul.f32 v50, v33;
	v51 =	vpop (erf);
	(erf) = vrcp.f32 v35  }
0x14f: {  	v57 =	vld [tilespmem:$0x7D0];
	[tilespmem:$0x88B0] =	vst v49;
	v53 =	vmul.f32 v51, v12;
	v54 =	vpop (erf);
	(erf) = vrcp.f32 v37  }
0x150: {  	v31 =	vld [tilespmem:$0x840];
	[tilespmem:$0x88C0] =	vst v2;
	v2 =	vmul.f32 v54, v14;
	v56 =	vpop (erf);
	(erf) = vrcp.f32 v39  }
0x151: {  	v60 =	vld [tilespmem:$0x7E0];
	[tilespmem:$0x88D0] =	vst v53;
	v58 =	vmul.f32 v56, v16;
	v59 =	vpop (erf);
	(erf) = vrcp.f32 v41  }
0x152: {  	v62 =	vld [tilespmem:$0x7F0];
	[tilespmem:$0x88E0] =	vst v2;
	v2 =	vmul.f32 v59, v18;
	v61 =	vpop (erf);
	(erf) = vrcp.f32 v44  }
0x153: {  	v18 =	vld [tilespmem:$0x800];
	[tilespmem:$0x88F0] =	vst v58;
	v63 =	vmul.f32 v61, v20;
	v16 =	vpop (erf);
	(erf) = vrcp.f32 v48  }
0x154: {  	v20 =	vld [tilespmem:$0x810];
	[tilespmem:$0x8900] =	vst v2;
	v2 =	vmul.f32 v16, v22;
	v19 =	vpop (erf);
	(erf) = vrcp.f32 v52  }
0x155: {  	[tilespmem:$0x8910] =	vst v63;
	v22 =	vmul.f32 v19, v24;
	v23 =	vpop (erf);
	(erf) = vrcp.f32 v57;
	v24 =	vld [tilespmem:$0x820]  }
0x156: {  	v27 =	vld [tilespmem:$0x830];
	[tilespmem:$0x8920] =	vst v2;
	v2 =	vmul.f32 v23, v26;
	v26 =	vpop (erf);
	(erf) = vrcp.f32 v60  }
0x157: {  	v3 =	vld [tilespmem:$0x89C0];
	[tilespmem:$0x8930] =	vst v22;
	v29 =	vmul.f32 v26, v28;
	v30 =	vpop (erf);
	(erf) = vrcp.f32 v62  }
0x158: {  	v33 =	vld [tilespmem:$0x850];
	[tilespmem:$0x8940] =	vst v2;
	v2 =	vmul.f32 v30, v34;
	v32 =	vpop (erf);
	(erf) = vrcp.f32 v18  }
0x159: {  	[tilespmem:$0x8950] =	vst v29;
	v34 =	vmul.f32 v32, v36;
	v35 =	vpop (erf);
	(erf) = vrcp.f32 v20;
	v36 =	vld [tilespmem:$0x860]  }
0x15a: {  	[tilespmem:$0x8960] =	vst v2;
	v2 =	vmul.f32 v35, v38;
	v37 =	vpop (erf);
	(erf) = vrcp.f32 v24;
	v38 =	vld [tilespmem:$0x870]  }
0x15b: {  	v41 =	vld [tilespmem:$0x89E0];
	[tilespmem:$0x8970] =	vst v34;
	v39 =	vmul.f32 v37, v40;
	v40 =	vpop (erf);
	(erf) = vrcp.f32 v27  }
0x15c: {  	v43 =	vld [tilespmem:$0x89F0];
	[tilespmem:$0x8980] =	vst v2;
	v2 =	vmul.f32 v40, v42;
	v42 =	vpop (erf);
	(erf) = vrcp.f32 v31  }
0x15d: {  	[tilespmem:$0x8990] =	vst v39;
	v44 =	vmul.f32 v42, v46;
	v45 =	vpop (erf);
	(erf) = vrcp.f32 v33;
	v46 =	vld [tilespmem:$0x8A00]  }
0x15e: {  	v47 =	vld [tilespmem:$0x8A10];
	[tilespmem:$0x89A0] =	vst v2;
	v2 =	vmul.f32 v45, v3;
	v3 =	vpop (erf);
	(erf) = vrcp.f32 v36  }
0x15f: {  	v49 =	vld [tilespmem:$0x8A20];
	[tilespmem:$0x89B0] =	vst v44;
	v3 =	vmul.f32 v3, v55;
	v48 =	vpop (erf);
	(erf) = vrcp.f32 v38  }
0x160: {  	v51 =	vld [tilespmem:$0x8A30];
	v50 =	vpop (erf);
	[tilespmem:$0x89C0] =	vst v2;
	v2 =	vmul.f32 v48, v41  }
0x161: {  	v53 =	vld [tilespmem:$0x8A40];
	v52 =	vpop (erf);
	[tilespmem:$0x89D0] =	vst v3;
	v3 =	vmul.f32 v50, v43  }
0x162: {  	v55 =	vld [tilespmem:$0x8A50];
	v54 =	vpop (erf);
	[tilespmem:$0x89E0] =	vst v2;
	v2 =	vmul.f32 v52, v46  }
0x163: {  	v57 =	vld [tilespmem:$0x8A60];
	v56 =	vpop (erf);
	[tilespmem:$0x89F0] =	vst v3;
	v3 =	vmul.f32 v54, v47  }
0x164: {  	v59 =	vld [tilespmem:$0x8A70];
	v58 =	vpop (erf);
	[tilespmem:$0x8A00] =	vst v2;
	v2 =	vmul.f32 v56, v49  }
0x165: {  	v60 =	vpop (erf);
	[tilespmem:$0x8A10] =	vst v3;
	v3 =	vmul.f32 v58, v51  }
0x166: {  	v61 =	vpop (erf);
	[tilespmem:$0x8A20] =	vst v2;
	v2 =	vmul.f32 v60, v53  }
0x167: {  	v62 =	vpop (erf);
	[tilespmem:$0x8A30] =	vst v3;
	v3 =	vmul.f32 v61, v55  }
0x168: {  	[tilespmem:$0x8A40] =	vst v2;
	v2 =	vmul.f32 v62, v57;
	v63 =	vpop (erf)  }
0x169: {  	s25 =	sadd.s32 $0x1, s25;
	[tilespmem:$0x8A50] =	vst v3;
	v3 =	vmul.f32 v63, v59  }
0x16a: {  	p0 =	sne.s32 s25, s9;
	[tilespmem:$0x8A60] =	vst v2  }
.Ltmp1:
0x16b: {  	s31 =	simm.s32 $0x8880;
	[tilespmem:$0x8A70] =	vst v3;
	(pc) =	sbr.rel @p0 .LBB2_1-.Ltmp1, $4  }
0x16c: {  	[hbm4b:s8+s3] =	stream.linear.scatter [tilespmem:s31], [sflag:$0x4], $0x200, $0x38;
	[tilespmem:$0x17EA8] =	vst v63  }
0x16d: {  	_ =	swait.ge [sflag:s10], $0x200  }
0x16e: {  	[sflag:s10] =	ssyncset.done $0x0  }
0x16f: {  	[sflag:s10] =	ssyncadd.s32 $0xFFFFFE00  }
0x170: {  	_ =	sfence.sel $0x180000  }
0x171: {  	[bflag:$0x0] =	sbarrier.arrive $0xFFFF  }
0x172: {  	_ =	strace $0x90000047  }
0x173: {  	s0 =	stileid.u32;
	[bflag:$0x2] =	sbarrier.arrive $0xFFFF  }
0x174: {  	p0 =	sne.s32 s0, $0x0;
	s0 =	rddreg [dreg:$0x5]  }
0x175: {  	s0 =	sadd.s32 @!p0 $0x100000, s0  }
0x176: {  	[sflag:s0] =	ssyncadd.tile.s32 @!p0 $0x1;
	_ =	shalt  }
.Lfunc_end2:
_tile_overlayer_lowered:
.L_overlay_start_2:
0x177: {  	(tag) =	ssettag $0x2  }
0x178: {  	s0 =	rddreg [dreg:$0x0];
	s2 =	stileid.u32  }
0x179: {  	s1 =	rddreg [dreg:$0x1];
	p0 =	sne.s32 s2, $0x0  }
0x17a: {  	s3 =	rddreg [dreg:$0x2];
	[bflag:$0x3] =	sbarrier.arrive $0xFFFF;
	s2 =	simm.s32 @!p0 $0x1C04  }
0x17b: {  	[timem:s3], [sflag:s2] =	dma.local @!p0 [hbm:s0], s1  }
0x17c: {  	s0 =	simm.s32 @!p0 $0x4  }
0x17d: {  	_ =	swait.ge @!p0 [sflag:s0], s1  }
0x17e: {  	s1 =	ssub.s32 @!p0 $0x0, s1;
	[sflag:s0] =	ssyncset.done @!p0 $0x0  }
0x17f: {  	[sflag:s0] =	ssyncadd.s32 @!p0 s1  }
0x180: {  	[bflag:$0x3] =	sbarrier.arrive $0xFFFF  }
0x181: {  	_ =	shalt  }

</sc_bundles>
